<compile_context>
chip_gen: v7x
topology: tpu7x:2x2x1
jax: 0.10.2.dev20260603
libtpu: 0.0.44.dev20260713+nightly
codegen_flags: <defaults>
</compile_context>

<pallas_src>
import jax
import jax.numpy as jnp
from jax import lax
from jax.experimental import pallas as pl
from jax.experimental.pallas import tpu as pltpu
from jax.experimental.pallas import tpu_sc as plsc

B = 4096
S = 200
E = 64
C = 2
V = 1000000

VB = 32768
NW = 32
BPW = B // NW
NJ = BPW // 16


def _proj_body(w_ref, tt_ref, p_ref):
    w = w_ref[...] * (1.0 / S)
    chunk = tt_ref[...]
    res = lax.dot_general(w, chunk, (((0,), (0,)), ((), ())),
                          preferred_element_type=jnp.float32)
    u0 = lax.bitcast_convert_type(res[0].astype(jnp.bfloat16),
                                  jnp.uint16).astype(jnp.uint32)
    u1 = lax.bitcast_convert_type(res[1].astype(jnp.bfloat16),
                                  jnp.uint16).astype(jnp.uint32)
    p_ref[...] = (u0 | (u1 << 16)).astype(jnp.int32)


def _sc_pool(ids_hbm, mask_hbm, p_hbm, bias_hbm, out_hbm,
             idx_v, mask_v, r_v, bias_v, out_v, gsem):
    wid = lax.axis_index("s") * 2 + lax.axis_index("c")
    base = wid * BPW

    pltpu.sync_copy(ids_hbm.at[:, pl.ds(base, BPW)], idx_v)
    pltpu.sync_copy(mask_hbm.at[:, pl.ds(base, BPW)], mask_v)
    pltpu.sync_copy(bias_hbm, bias_v)

    def issue_body(s4, _):
        for k in range(4):
            s = s4 * 4 + k
            pltpu.async_copy(p_hbm.at[idx_v.at[s, :]], r_v.at[s, :], gsem)
        return 0

    lax.fori_loop(0, S // 4, issue_body, 0)

    zero = jnp.zeros((16,), jnp.float32)
    CD = 10

    def drain_body(r, accs):
        s0 = r * CD
        pltpu.make_async_copy(ids_hbm.at[pl.ds(0, CD), pl.ds(0, BPW)],
                              r_v.at[pl.ds(s0, CD), :], gsem).wait()
        for ss in range(CD):
            s = s0 + ss
            out = []
            for j in range(NJ):
                m = mask_v[s, pl.ds(j * 16, 16)]
                pair = plsc.bitcast(r_v[s, pl.ds(j * 16, 16)], jnp.bfloat16)
                p0h, p1h = plsc.unpack(pair, format=plsc.PackFormat.INTERLEAVED)
                out.append(accs[2 * j] + m * p0h.astype(jnp.float32))
                out.append(accs[2 * j + 1] + m * p1h.astype(jnp.float32))
            accs = tuple(out)
        return accs

    accs = lax.fori_loop(0, S // CD, drain_body, (zero,) * (2 * NJ))
    b0 = bias_v[0, pl.ds(0, 16)]
    b1 = bias_v[1, pl.ds(0, 16)]
    for j in range(NJ):
        out_v[0, pl.ds(j * 16, 16)] = accs[2 * j] + b0
        out_v[1, pl.ds(j * 16, 16)] = accs[2 * j + 1] + b1
    pltpu.sync_copy(out_v, out_hbm.at[:, pl.ds(base, BPW)])


def kernel(input_ids, mask, emb_table, fc_w, fc_b):
    ids_t = input_ids.astype(jnp.int32).T
    mask_t = mask.T

    nblocks = pl.cdiv(V, VB)
    p_packed = pl.pallas_call(
        _proj_body,
        grid=(nblocks,),
        in_specs=[
            pl.BlockSpec((E, C), lambda i: (0, 0)),
            pl.BlockSpec((E, VB), lambda i: (0, i)),
        ],
        out_specs=pl.BlockSpec((VB,), lambda i: (i,)),
        out_shape=jax.ShapeDtypeStruct((V,), jnp.int32),
    )(fc_w, emb_table.T)

    mesh = plsc.VectorSubcoreMesh(core_axis_name="c", subcore_axis_name="s")
    pooled = pl.kernel(
        _sc_pool,
        out_type=jax.ShapeDtypeStruct((C, B), jnp.float32),
        mesh=mesh,
        compiler_params=pltpu.CompilerParams(needs_layout_passes=False,
                                             use_tc_tiling_on_sc=False),
        scratch_types=[
            pltpu.VMEM((S, BPW), jnp.int32),
            pltpu.VMEM((S, BPW), jnp.float32),
            pltpu.VMEM((S, BPW), jnp.int32),
            pltpu.VMEM((C, 16), jnp.float32),
            pltpu.VMEM((C, BPW), jnp.float32),
            pltpu.SemaphoreType.DMA,
        ],
    )(ids_t, mask_t, p_packed, jnp.broadcast_to(fc_b.reshape(C, 1), (C, 16)))

    return pooled.T

# --- scband reference (transcript-rebuilt; emitter-appended) ---
"""Pipeline reference for scband-model-my-14250701488626 (READ-ONLY COPY).

The authoritative reference and input builder live on the scoring server;
editing this copy changes nothing except your own understanding.
"""

import jax, jax.numpy as jnp
import numpy as np

VOCAB = 1000000
EMBED = 64
NUM_CLASSES = 2
BATCH = 4096
SEQ = 200


def setup_inputs(seed: int = 0) -> dict:
    key = jax.random.key(seed)
    k1, k2, k3, k4, k5 = jax.random.split(key, 5)
    input_ids = jax.random.randint(k1, (BATCH, SEQ), 0, VOCAB, dtype=jnp.int64 if jax.config.jax_enable_x64 else jnp.int32)
    mask = jax.random.uniform(k2, (BATCH, SEQ), dtype=jnp.float32)
    emb_table = jax.random.normal(k3, (VOCAB, EMBED), dtype=jnp.float32)
    fc_w = jax.random.normal(k4, (EMBED, NUM_CLASSES), dtype=jnp.float32) * (1.0 / np.sqrt(EMBED))
    fc_b = jax.random.normal(k5, (NUM_CLASSES,), dtype=jnp.float32) * 0.01
    return {"input_ids": input_ids, "mask": mask, "emb_table": emb_table, "fc_w": fc_w, "fc_b": fc_b}


def reference(input_ids, mask, emb_table, fc_w, fc_b):
    # x = self.embedding(input_ids)
    x = jnp.take(emb_table, input_ids, axis=0)          # [B, S, E]
    # x = x * mask.unsqueeze(-1)
    x = x * mask[..., None]                              # [B, S, E]
    # x = x.mean(dim=1)
    x = jnp.mean(x, axis=1)                              # [B, E]
    # return self.fc(x)
    return x @ fc_w + fc_b                               # [B, C]

if __name__ == "__main__":
    import jax
    _d = setup_inputs()
    print(jax.jit(kernel)(*tuple(_d.values())))

</pallas_src>

<mosaic_0001>
#map = affine_map<(d0, d1) -> (0, 0)>
#map1 = affine_map<(d0, d1) -> (0)>
module attributes {stable_mosaic.version = 14 : i64} {
  func.func @_sc_pool(%arg0: i32, %arg1: i32, %arg2: memref<200x4096xi32, #tpu.memory_space<hbm>>, %arg3: memref<200x4096xf32, #tpu.memory_space<hbm>>, %arg4: memref<1000000xi32, #tpu.memory_space<hbm>>, %arg5: memref<2x16xf32, #tpu.memory_space<hbm>>, %arg6: memref<2x4096xf32, #tpu.memory_space<hbm>>, %arg7: memref<200x128xi32, #tpu.memory_space<vmem>>, %arg8: memref<200x128xf32, #tpu.memory_space<vmem>>, %arg9: memref<200x128xi32, #tpu.memory_space<vmem>>, %arg10: memref<2x16xf32, #tpu.memory_space<vmem>>, %arg11: memref<2x128xf32, #tpu.memory_space<vmem>>, %arg12: memref<!tpu.dma_semaphore, #tpu.memory_space<semaphore_mem>>) attributes {dimension_semantics = [#tpu.dimension_semantics<core_parallel>, #tpu.dimension_semantics<subcore_parallel>], iteration_bounds = array<i64: 2, 16>, scalar_prefetch = 0 : i64, scratch_operands = 6 : i64, tpu.core_type = #tpu.core_type<sc_vector_subcore>, window_params = [{transform_indices = #map}, {transform_indices = #map}, {transform_indices = #map1}, {transform_indices = #map}, {transform_indices = #map}]} {
    %mul3A = arith.constant 2 : i32
    %mul3A_0 = arith.muli %arg1, %mul3A : i32
    %add3A = arith.addi %mul3A_0, %arg0 : i32
    %mul3A_1 = arith.constant 128 : i32
    %mul3A_2 = arith.muli %add3A, %mul3A_1 : i32
    "tpu.region"() ({
      %run_scoped3A = tpu.sem_alloc : memref<!tpu.dma_semaphore, #tpu.memory_space<semaphore_mem>>
      %dma_start3A = arith.constant 0 : i32
      %dma_start3A_102 = tpu.memref_slice %arg2[%dma_start3A, %mul3A_2] : memref<200x4096xi32, #tpu.memory_space<hbm>> -> memref<200x128xi32, #tpu.memory_space<hbm>>
      %dma_start3A_103 = arith.constant 0 : i32
      %dma_start3A_104 = tpu.memref_slice %arg2[%dma_start3A_103, %mul3A_2] : memref<200x4096xi32, #tpu.memory_space<hbm>> -> memref<200x128xi32, #tpu.memory_space<hbm>>
      tpu.enqueue_dma source(%dma_start3A_104 : memref<200x128xi32, #tpu.memory_space<hbm>>) target(%arg7 : memref<200x128xi32, #tpu.memory_space<vmem>>) target_semaphore(%run_scoped3A : memref<!tpu.dma_semaphore, #tpu.memory_space<semaphore_mem>>)
      %dma_wait3A = arith.constant 0 : i32
      %dma_wait3A_105 = tpu.memref_slice %arg2[%dma_wait3A, %mul3A_2] : memref<200x4096xi32, #tpu.memory_space<hbm>> -> memref<200x128xi32, #tpu.memory_space<hbm>>
      %dma_wait3A_106 = arith.constant 0 : i32
      %dma_wait3A_107 = tpu.memref_slice %arg2[%dma_wait3A_106, %mul3A_2] : memref<200x4096xi32, #tpu.memory_space<hbm>> -> memref<200x128xi32, #tpu.memory_space<hbm>>
      tpu.wait_dma2 semaphore(%run_scoped3A : memref<!tpu.dma_semaphore, #tpu.memory_space<semaphore_mem>>) src(%dma_wait3A_107 : memref<200x128xi32, #tpu.memory_space<hbm>>) dst(%arg7 : memref<200x128xi32, #tpu.memory_space<vmem>>)
      tpu.yield
    }) : () -> ()
    "tpu.region"() ({
      %run_scoped3A = tpu.sem_alloc : memref<!tpu.dma_semaphore, #tpu.memory_space<semaphore_mem>>
      %dma_start3A = arith.constant 0 : i32
      %dma_start3A_102 = tpu.memref_slice %arg3[%dma_start3A, %mul3A_2] : memref<200x4096xf32, #tpu.memory_space<hbm>> -> memref<200x128xf32, #tpu.memory_space<hbm>>
      %dma_start3A_103 = arith.constant 0 : i32
      %dma_start3A_104 = tpu.memref_slice %arg3[%dma_start3A_103, %mul3A_2] : memref<200x4096xf32, #tpu.memory_space<hbm>> -> memref<200x128xf32, #tpu.memory_space<hbm>>
      tpu.enqueue_dma source(%dma_start3A_104 : memref<200x128xf32, #tpu.memory_space<hbm>>) target(%arg8 : memref<200x128xf32, #tpu.memory_space<vmem>>) target_semaphore(%run_scoped3A : memref<!tpu.dma_semaphore, #tpu.memory_space<semaphore_mem>>)
      %dma_wait3A = arith.constant 0 : i32
      %dma_wait3A_105 = tpu.memref_slice %arg3[%dma_wait3A, %mul3A_2] : memref<200x4096xf32, #tpu.memory_space<hbm>> -> memref<200x128xf32, #tpu.memory_space<hbm>>
      %dma_wait3A_106 = arith.constant 0 : i32
      %dma_wait3A_107 = tpu.memref_slice %arg3[%dma_wait3A_106, %mul3A_2] : memref<200x4096xf32, #tpu.memory_space<hbm>> -> memref<200x128xf32, #tpu.memory_space<hbm>>
      tpu.wait_dma2 semaphore(%run_scoped3A : memref<!tpu.dma_semaphore, #tpu.memory_space<semaphore_mem>>) src(%dma_wait3A_107 : memref<200x128xf32, #tpu.memory_space<hbm>>) dst(%arg8 : memref<200x128xf32, #tpu.memory_space<vmem>>)
      tpu.yield
    }) : () -> ()
    "tpu.region"() ({
      %run_scoped3A = tpu.sem_alloc : memref<!tpu.dma_semaphore, #tpu.memory_space<semaphore_mem>>
      tpu.enqueue_dma source(%arg5 : memref<2x16xf32, #tpu.memory_space<hbm>>) target(%arg10 : memref<2x16xf32, #tpu.memory_space<vmem>>) target_semaphore(%run_scoped3A : memref<!tpu.dma_semaphore, #tpu.memory_space<semaphore_mem>>)
      tpu.wait_dma2 semaphore(%run_scoped3A : memref<!tpu.dma_semaphore, #tpu.memory_space<semaphore_mem>>) src(%arg5 : memref<2x16xf32, #tpu.memory_space<hbm>>) dst(%arg10 : memref<2x16xf32, #tpu.memory_space<vmem>>)
      tpu.yield
    }) : () -> ()
    %scan3A = arith.constant 0 : i32
    %scan3A_3 = arith.constant 0 : i32
    %scan3A_4 = arith.constant 50 : i32
    %scan3A_5 = arith.addi %scan3A_3, %scan3A_4 : i32
    %scan3A_6 = arith.constant 1 : i32
    %scan3A_7 = scf.for %scan3A_102 = %scan3A_3 to %scan3A_5 step %scan3A_6 iter_args(%scan3A_103 = %scan3A) -> (i32)  : i32 {
      %mul3A_104 = arith.constant 4 : i32
      %mul3A_105 = arith.muli %scan3A_102, %mul3A_104 : i32
      %add3A_106 = arith.constant 0 : i32
      %add3A_107 = arith.addi %mul3A_105, %add3A_106 : i32
      %dma_start3A = arith.constant 0 : i32
      %dma_start3A_108 = tpu.memref_slice %arg9[%add3A_107, %dma_start3A] : memref<200x128xi32, #tpu.memory_space<vmem>> -> memref<1x128xi32, #tpu.memory_space<vmem>>
      %dma_start3A_109 = tpu.memref_squeeze %dma_start3A_108 : memref<1x128xi32, #tpu.memory_space<vmem>> -> memref<128xi32, #tpu.memory_space<vmem>>
      %dma_start3A_110 = arith.constant 0 : i32
      %dma_start3A_111 = tpu.memref_slice %arg7[%add3A_107, %dma_start3A_110] : memref<200x128xi32, #tpu.memory_space<vmem>> -> memref<1x128xi32, #tpu.memory_space<vmem>>
      %dma_start3A_112 = tpu.memref_squeeze %dma_start3A_111 : memref<1x128xi32, #tpu.memory_space<vmem>> -> memref<128xi32, #tpu.memory_space<vmem>>
      %dma_start3A_113 = arith.constant 0 : i32
      %dma_start3A_114 = tpu.memref_slice %arg4[%dma_start3A_113] : memref<1000000xi32, #tpu.memory_space<hbm>> -> memref<1000000xi32, #tpu.memory_space<hbm>>
      tpu.enqueue_indirect_dma source(%dma_start3A_114 : memref<1000000xi32, #tpu.memory_space<hbm>>) target(%dma_start3A_109 : memref<128xi32, #tpu.memory_space<vmem>>) offsets(%dma_start3A_112 : memref<128xi32, #tpu.memory_space<vmem>>) semaphore(%arg12 : memref<!tpu.dma_semaphore, #tpu.memory_space<semaphore_mem>>)
      %mul3A_115 = arith.constant 4 : i32
      %mul3A_116 = arith.muli %scan3A_102, %mul3A_115 : i32
      %add3A_117 = arith.constant 1 : i32
      %add3A_118 = arith.addi %mul3A_116, %add3A_117 : i32
      %dma_start3A_119 = arith.constant 0 : i32
      %dma_start3A_120 = tpu.memref_slice %arg9[%add3A_118, %dma_start3A_119] : memref<200x128xi32, #tpu.memory_space<vmem>> -> memref<1x128xi32, #tpu.memory_space<vmem>>
      %dma_start3A_121 = tpu.memref_squeeze %dma_start3A_120 : memref<1x128xi32, #tpu.memory_space<vmem>> -> memref<128xi32, #tpu.memory_space<vmem>>
      %dma_start3A_122 = arith.constant 0 : i32
      %dma_start3A_123 = tpu.memref_slice %arg7[%add3A_118, %dma_start3A_122] : memref<200x128xi32, #tpu.memory_space<vmem>> -> memref<1x128xi32, #tpu.memory_space<vmem>>
      %dma_start3A_124 = tpu.memref_squeeze %dma_start3A_123 : memref<1x128xi32, #tpu.memory_space<vmem>> -> memref<128xi32, #tpu.memory_space<vmem>>
      %dma_start3A_125 = arith.constant 0 : i32
      %dma_start3A_126 = tpu.memref_slice %arg4[%dma_start3A_125] : memref<1000000xi32, #tpu.memory_space<hbm>> -> memref<1000000xi32, #tpu.memory_space<hbm>>
      tpu.enqueue_indirect_dma source(%dma_start3A_126 : memref<1000000xi32, #tpu.memory_space<hbm>>) target(%dma_start3A_121 : memref<128xi32, #tpu.memory_space<vmem>>) offsets(%dma_start3A_124 : memref<128xi32, #tpu.memory_space<vmem>>) semaphore(%arg12 : memref<!tpu.dma_semaphore, #tpu.memory_space<semaphore_mem>>)
      %mul3A_127 = arith.constant 4 : i32
      %mul3A_128 = arith.muli %scan3A_102, %mul3A_127 : i32
      %add3A_129 = arith.constant 2 : i32
      %add3A_130 = arith.addi %mul3A_128, %add3A_129 : i32
      %dma_start3A_131 = arith.constant 0 : i32
      %dma_start3A_132 = tpu.memref_slice %arg9[%add3A_130, %dma_start3A_131] : memref<200x128xi32, #tpu.memory_space<vmem>> -> memref<1x128xi32, #tpu.memory_space<vmem>>
      %dma_start3A_133 = tpu.memref_squeeze %dma_start3A_132 : memref<1x128xi32, #tpu.memory_space<vmem>> -> memref<128xi32, #tpu.memory_space<vmem>>
      %dma_start3A_134 = arith.constant 0 : i32
      %dma_start3A_135 = tpu.memref_slice %arg7[%add3A_130, %dma_start3A_134] : memref<200x128xi32, #tpu.memory_space<vmem>> -> memref<1x128xi32, #tpu.memory_space<vmem>>
      %dma_start3A_136 = tpu.memref_squeeze %dma_start3A_135 : memref<1x128xi32, #tpu.memory_space<vmem>> -> memref<128xi32, #tpu.memory_space<vmem>>
      %dma_start3A_137 = arith.constant 0 : i32
      %dma_start3A_138 = tpu.memref_slice %arg4[%dma_start3A_137] : memref<1000000xi32, #tpu.memory_space<hbm>> -> memref<1000000xi32, #tpu.memory_space<hbm>>
      tpu.enqueue_indirect_dma source(%dma_start3A_138 : memref<1000000xi32, #tpu.memory_space<hbm>>) target(%dma_start3A_133 : memref<128xi32, #tpu.memory_space<vmem>>) offsets(%dma_start3A_136 : memref<128xi32, #tpu.memory_space<vmem>>) semaphore(%arg12 : memref<!tpu.dma_semaphore, #tpu.memory_space<semaphore_mem>>)
      %mul3A_139 = arith.constant 4 : i32
      %mul3A_140 = arith.muli %scan3A_102, %mul3A_139 : i32
      %add3A_141 = arith.constant 3 : i32
      %add3A_142 = arith.addi %mul3A_140, %add3A_141 : i32
      %dma_start3A_143 = arith.constant 0 : i32
      %dma_start3A_144 = tpu.memref_slice %arg9[%add3A_142, %dma_start3A_143] : memref<200x128xi32, #tpu.memory_space<vmem>> -> memref<1x128xi32, #tpu.memory_space<vmem>>
      %dma_start3A_145 = tpu.memref_squeeze %dma_start3A_144 : memref<1x128xi32, #tpu.memory_space<vmem>> -> memref<128xi32, #tpu.memory_space<vmem>>
      %dma_start3A_146 = arith.constant 0 : i32
      %dma_start3A_147 = tpu.memref_slice %arg7[%add3A_142, %dma_start3A_146] : memref<200x128xi32, #tpu.memory_space<vmem>> -> memref<1x128xi32, #tpu.memory_space<vmem>>
      %dma_start3A_148 = tpu.memref_squeeze %dma_start3A_147 : memref<1x128xi32, #tpu.memory_space<vmem>> -> memref<128xi32, #tpu.memory_space<vmem>>
      %dma_start3A_149 = arith.constant 0 : i32
      %dma_start3A_150 = tpu.memref_slice %arg4[%dma_start3A_149] : memref<1000000xi32, #tpu.memory_space<hbm>> -> memref<1000000xi32, #tpu.memory_space<hbm>>
      tpu.enqueue_indirect_dma source(%dma_start3A_150 : memref<1000000xi32, #tpu.memory_space<hbm>>) target(%dma_start3A_145 : memref<128xi32, #tpu.memory_space<vmem>>) offsets(%dma_start3A_148 : memref<128xi32, #tpu.memory_space<vmem>>) semaphore(%arg12 : memref<!tpu.dma_semaphore, #tpu.memory_space<semaphore_mem>>)
      %scan3A_151 = arith.constant 0 : i32
      scf.yield %scan3A_151 : i32
    }
    %scan3A_8 = arith.constant 50 : i32
    %broadcast_in_dim3A = arith.constant 0.000000e+00 : f32
    %broadcast_in_dim3A_9 = vector.broadcast %broadcast_in_dim3A : f32 to vector<16xf32>
    %scan3A_10 = arith.constant 0 : i32
    %scan3A_11 = arith.constant 20 : i32
    %scan3A_12 = arith.addi %scan3A_10, %scan3A_11 : i32
    %scan3A_13 = arith.constant 1 : i32
    %scan3A_14:16 = scf.for %scan3A_102 = %scan3A_10 to %scan3A_12 step %scan3A_13 iter_args(%scan3A_103 = %broadcast_in_dim3A_9, %scan3A_104 = %broadcast_in_dim3A_9, %scan3A_105 = %broadcast_in_dim3A_9, %scan3A_106 = %broadcast_in_dim3A_9, %scan3A_107 = %broadcast_in_dim3A_9, %scan3A_108 = %broadcast_in_dim3A_9, %scan3A_109 = %broadcast_in_dim3A_9, %scan3A_110 = %broadcast_in_dim3A_9, %scan3A_111 = %broadcast_in_dim3A_9, %scan3A_112 = %broadcast_in_dim3A_9, %scan3A_113 = %broadcast_in_dim3A_9, %scan3A_114 = %broadcast_in_dim3A_9, %scan3A_115 = %broadcast_in_dim3A_9, %scan3A_116 = %broadcast_in_dim3A_9, %scan3A_117 = %broadcast_in_dim3A_9, %scan3A_118 = %broadcast_in_dim3A_9) -> (vector<16xf32>, vector<16xf32>, vector<16xf32>, vector<16xf32>, vector<16xf32>, vector<16xf32>, vector<16xf32>, vector<16xf32>, vector<16xf32>, vector<16xf32>, vector<16xf32>, vector<16xf32>, vector<16xf32>, vector<16xf32>, vector<16xf32>, vector<16xf32>)  : i32 {
      %mul3A_119 = arith.constant 10 : i32
      %mul3A_120 = arith.muli %scan3A_102, %mul3A_119 : i32
      %dma_wait3A = arith.constant 0 : i32
      %dma_wait3A_121 = tpu.memref_slice %arg9[%mul3A_120, %dma_wait3A] : memref<200x128xi32, #tpu.memory_space<vmem>> -> memref<10x128xi32, #tpu.memory_space<vmem>>
      %dma_wait3A_122 = arith.constant 0 : i32
      %dma_wait3A_123 = arith.constant 0 : i32
      %dma_wait3A_124 = tpu.memref_slice %arg2[%dma_wait3A_122, %dma_wait3A_123] : memref<200x4096xi32, #tpu.memory_space<hbm>> -> memref<10x128xi32, #tpu.memory_space<hbm>>
      %dma_wait3A_125 = arith.constant 0 : i32
      %dma_wait3A_126 = tpu.memref_slice %arg9[%mul3A_120, %dma_wait3A_125] : memref<200x128xi32, #tpu.memory_space<vmem>> -> memref<10x128xi32, #tpu.memory_space<vmem>>
      %dma_wait3A_127 = arith.constant 0 : i32
      %dma_wait3A_128 = arith.constant 0 : i32
      %dma_wait3A_129 = tpu.memref_slice %arg2[%dma_wait3A_127, %dma_wait3A_128] : memref<200x4096xi32, #tpu.memory_space<hbm>> -> memref<10x128xi32, #tpu.memory_space<hbm>>
      tpu.wait_dma2 semaphore(%arg12 : memref<!tpu.dma_semaphore, #tpu.memory_space<semaphore_mem>>) src(%dma_wait3A_129 : memref<10x128xi32, #tpu.memory_space<hbm>>) dst(%dma_wait3A_126 : memref<10x128xi32, #tpu.memory_space<vmem>>)
      %add3A_130 = arith.constant 0 : i32
      %add3A_131 = arith.addi %mul3A_120, %add3A_130 : i32
      %get3A_132 = arith.index_cast %add3A_131 : i32 to index
      %get3A_133 = arith.constant 0 : index
      %get3A_134 = tpu.vector_load %arg8[%get3A_132, %get3A_133] {strides = array<i32>} : memref<200x128xf32, #tpu.memory_space<vmem>>, vector<16xf32>,
      %get3A_135 = arith.index_cast %add3A_131 : i32 to index
      %get3A_136 = arith.constant 0 : index
      %get3A_137 = tpu.vector_load %arg9[%get3A_135, %get3A_136] {strides = array<i32>} : memref<200x128xi32, #tpu.memory_space<vmem>>, vector<16xi32>,
      %bitcast3A = vector.bitcast %get3A_137 : vector<16xi32> to vector<32xbf16>
      %unpack3A = tpu.unpack_subelements %bitcast3A, 0 {pack_format = #tpu.pack_format<interleaved>} : vector<32xbf16> -> vector<16xf32>
      %unpack3A_138 = tpu.unpack_subelements %bitcast3A, 1 {pack_format = #tpu.pack_format<interleaved>} : vector<32xbf16> -> vector<16xf32>
      %mul3A_139 = arith.mulf %get3A_134, %unpack3A : vector<16xf32>
      %add3A_140 = arith.addf %scan3A_103, %mul3A_139 : vector<16xf32>
      %mul3A_141 = arith.mulf %get3A_134, %unpack3A_138 : vector<16xf32>
      %add3A_142 = arith.addf %scan3A_104, %mul3A_141 : vector<16xf32>
      %get3A_143 = arith.index_cast %add3A_131 : i32 to index
      %get3A_144 = arith.constant 16 : index
      %get3A_145 = tpu.vector_load %arg8[%get3A_143, %get3A_144] {strides = array<i32>} : memref<200x128xf32, #tpu.memory_space<vmem>>, vector<16xf32>,
      %get3A_146 = arith.index_cast %add3A_131 : i32 to index
      %get3A_147 = arith.constant 16 : index
      %get3A_148 = tpu.vector_load %arg9[%get3A_146, %get3A_147] {strides = array<i32>} : memref<200x128xi32, #tpu.memory_space<vmem>>, vector<16xi32>,
      %bitcast3A_149 = vector.bitcast %get3A_148 : vector<16xi32> to vector<32xbf16>
      %unpack3A_150 = tpu.unpack_subelements %bitcast3A_149, 0 {pack_format = #tpu.pack_format<interleaved>} : vector<32xbf16> -> vector<16xf32>
      %unpack3A_151 = tpu.unpack_subelements %bitcast3A_149, 1 {pack_format = #tpu.pack_format<interleaved>} : vector<32xbf16> -> vector<16xf32>
      %mul3A_152 = arith.mulf %get3A_145, %unpack3A_150 : vector<16xf32>
      %add3A_153 = arith.addf %scan3A_105, %mul3A_152 : vector<16xf32>
      %mul3A_154 = arith.mulf %get3A_145, %unpack3A_151 : vector<16xf32>
      %add3A_155 = arith.addf %scan3A_106, %mul3A_154 : vector<16xf32>
      %get3A_156 = arith.index_cast %add3A_131 : i32 to index
      %get3A_157 = arith.constant 32 : index
      %get3A_158 = tpu.vector_load %arg8[%get3A_156, %get3A_157] {strides = array<i32>} : memref<200x128xf32, #tpu.memory_space<vmem>>, vector<16xf32>,
      %get3A_159 = arith.index_cast %add3A_131 : i32 to index
      %get3A_160 = arith.constant 32 : index
      %get3A_161 = tpu.vector_load %arg9[%get3A_159, %get3A_160] {strides = array<i32>} : memref<200x128xi32, #tpu.memory_space<vmem>>, vector<16xi32>,
      %bitcast3A_162 = vector.bitcast %get3A_161 : vector<16xi32> to vector<32xbf16>
      %unpack3A_163 = tpu.unpack_subelements %bitcast3A_162, 0 {pack_format = #tpu.pack_format<interleaved>} : vector<32xbf16> -> vector<16xf32>
      %unpack3A_164 = tpu.unpack_subelements %bitcast3A_162, 1 {pack_format = #tpu.pack_format<interleaved>} : vector<32xbf16> -> vector<16xf32>
      %mul3A_165 = arith.mulf %get3A_158, %unpack3A_163 : vector<16xf32>
      %add3A_166 = arith.addf %scan3A_107, %mul3A_165 : vector<16xf32>
      %mul3A_167 = arith.mulf %get3A_158, %unpack3A_164 : vector<16xf32>
      %add3A_168 = arith.addf %scan3A_108, %mul3A_167 : vector<16xf32>
      %get3A_169 = arith.index_cast %add3A_131 : i32 to index
      %get3A_170 = arith.constant 48 : index
      %get3A_171 = tpu.vector_load %arg8[%get3A_169, %get3A_170] {strides = array<i32>} : memref<200x128xf32, #tpu.memory_space<vmem>>, vector<16xf32>,
      %get3A_172 = arith.index_cast %add3A_131 : i32 to index
      %get3A_173 = arith.constant 48 : index
      %get3A_174 = tpu.vector_load %arg9[%get3A_172, %get3A_173] {strides = array<i32>} : memref<200x128xi32, #tpu.memory_space<vmem>>, vector<16xi32>,
      %bitcast3A_175 = vector.bitcast %get3A_174 : vector<16xi32> to vector<32xbf16>
      %unpack3A_176 = tpu.unpack_subelements %bitcast3A_175, 0 {pack_format = #tpu.pack_format<interleaved>} : vector<32xbf16> -> vector<16xf32>
      %unpack3A_177 = tpu.unpack_subelements %bitcast3A_175, 1 {pack_format = #tpu.pack_format<interleaved>} : vector<32xbf16> -> vector<16xf32>
      %mul3A_178 = arith.mulf %get3A_171, %unpack3A_176 : vector<16xf32>
      %add3A_179 = arith.addf %scan3A_109, %mul3A_178 : vector<16xf32>
      %mul3A_180 = arith.mulf %get3A_171, %unpack3A_177 : vector<16xf32>
      %add3A_181 = arith.addf %scan3A_110, %mul3A_180 : vector<16xf32>
      %get3A_182 = arith.index_cast %add3A_131 : i32 to index
      %get3A_183 = arith.constant 64 : index
      %get3A_184 = tpu.vector_load %arg8[%get3A_182, %get3A_183] {strides = array<i32>} : memref<200x128xf32, #tpu.memory_space<vmem>>, vector<16xf32>,
      %get3A_185 = arith.index_cast %add3A_131 : i32 to index
      %get3A_186 = arith.constant 64 : index
      %get3A_187 = tpu.vector_load %arg9[%get3A_185, %get3A_186] {strides = array<i32>} : memref<200x128xi32, #tpu.memory_space<vmem>>, vector<16xi32>,
      %bitcast3A_188 = vector.bitcast %get3A_187 : vector<16xi32> to vector<32xbf16>
      %unpack3A_189 = tpu.unpack_subelements %bitcast3A_188, 0 {pack_format = #tpu.pack_format<interleaved>} : vector<32xbf16> -> vector<16xf32>
      %unpack3A_190 = tpu.unpack_subelements %bitcast3A_188, 1 {pack_format = #tpu.pack_format<interleaved>} : vector<32xbf16> -> vector<16xf32>
      %mul3A_191 = arith.mulf %get3A_184, %unpack3A_189 : vector<16xf32>
      %add3A_192 = arith.addf %scan3A_111, %mul3A_191 : vector<16xf32>
      %mul3A_193 = arith.mulf %get3A_184, %unpack3A_190 : vector<16xf32>
      %add3A_194 = arith.addf %scan3A_112, %mul3A_193 : vector<16xf32>
      %get3A_195 = arith.index_cast %add3A_131 : i32 to index
      %get3A_196 = arith.constant 80 : index
      %get3A_197 = tpu.vector_load %arg8[%get3A_195, %get3A_196] {strides = array<i32>} : memref<200x128xf32, #tpu.memory_space<vmem>>, vector<16xf32>,
      %get3A_198 = arith.index_cast %add3A_131 : i32 to index
      %get3A_199 = arith.constant 80 : index
      %get3A_200 = tpu.vector_load %arg9[%get3A_198, %get3A_199] {strides = array<i32>} : memref<200x128xi32, #tpu.memory_space<vmem>>, vector<16xi32>,
      %bitcast3A_201 = vector.bitcast %get3A_200 : vector<16xi32> to vector<32xbf16>
      %unpack3A_202 = tpu.unpack_subelements %bitcast3A_201, 0 {pack_format = #tpu.pack_format<interleaved>} : vector<32xbf16> -> vector<16xf32>
      %unpack3A_203 = tpu.unpack_subelements %bitcast3A_201, 1 {pack_format = #tpu.pack_format<interleaved>} : vector<32xbf16> -> vector<16xf32>
      %mul3A_204 = arith.mulf %get3A_197, %unpack3A_202 : vector<16xf32>
      %add3A_205 = arith.addf %scan3A_113, %mul3A_204 : vector<16xf32>
      %mul3A_206 = arith.mulf %get3A_197, %unpack3A_203 : vector<16xf32>
      %add3A_207 = arith.addf %scan3A_114, %mul3A_206 : vector<16xf32>
      %get3A_208 = arith.index_cast %add3A_131 : i32 to index
      %get3A_209 = arith.constant 96 : index
      %get3A_210 = tpu.vector_load %arg8[%get3A_208, %get3A_209] {strides = array<i32>} : memref<200x128xf32, #tpu.memory_space<vmem>>, vector<16xf32>,
      %get3A_211 = arith.index_cast %add3A_131 : i32 to index
      %get3A_212 = arith.constant 96 : index
      %get3A_213 = tpu.vector_load %arg9[%get3A_211, %get3A_212] {strides = array<i32>} : memref<200x128xi32, #tpu.memory_space<vmem>>, vector<16xi32>,
      %bitcast3A_214 = vector.bitcast %get3A_213 : vector<16xi32> to vector<32xbf16>
      %unpack3A_215 = tpu.unpack_subelements %bitcast3A_214, 0 {pack_format = #tpu.pack_format<interleaved>} : vector<32xbf16> -> vector<16xf32>
      %unpack3A_216 = tpu.unpack_subelements %bitcast3A_214, 1 {pack_format = #tpu.pack_format<interleaved>} : vector<32xbf16> -> vector<16xf32>
      %mul3A_217 = arith.mulf %get3A_210, %unpack3A_215 : vector<16xf32>
      %add3A_218 = arith.addf %scan3A_115, %mul3A_217 : vector<16xf32>
      %mul3A_219 = arith.mulf %get3A_210, %unpack3A_216 : vector<16xf32>
      %add3A_220 = arith.addf %scan3A_116, %mul3A_219 : vector<16xf32>
      %get3A_221 = arith.index_cast %add3A_131 : i32 to index
      %get3A_222 = arith.constant 112 : index
      %get3A_223 = tpu.vector_load %arg8[%get3A_221, %get3A_222] {strides = array<i32>} : memref<200x128xf32, #tpu.memory_space<vmem>>, vector<16xf32>,
      %get3A_224 = arith.index_cast %add3A_131 : i32 to index
      %get3A_225 = arith.constant 112 : index
      %get3A_226 = tpu.vector_load %arg9[%get3A_224, %get3A_225] {strides = array<i32>} : memref<200x128xi32, #tpu.memory_space<vmem>>, vector<16xi32>,
      %bitcast3A_227 = vector.bitcast %get3A_226 : vector<16xi32> to vector<32xbf16>
      %unpack3A_228 = tpu.unpack_subelements %bitcast3A_227, 0 {pack_format = #tpu.pack_format<interleaved>} : vector<32xbf16> -> vector<16xf32>
      %unpack3A_229 = tpu.unpack_subelements %bitcast3A_227, 1 {pack_format = #tpu.pack_format<interleaved>} : vector<32xbf16> -> vector<16xf32>
      %mul3A_230 = arith.mulf %get3A_223, %unpack3A_228 : vector<16xf32>
      %add3A_231 = arith.addf %scan3A_117, %mul3A_230 : vector<16xf32>
      %mul3A_232 = arith.mulf %get3A_223, %unpack3A_229 : vector<16xf32>
      %add3A_233 = arith.addf %scan3A_118, %mul3A_232 : vector<16xf32>
      %add3A_234 = arith.constant 1 : i32
      %add3A_235 = arith.addi %mul3A_120, %add3A_234 : i32
      %get3A_236 = arith.index_cast %add3A_235 : i32 to index
      %get3A_237 = arith.constant 0 : index
      %get3A_238 = tpu.vector_load %arg8[%get3A_236, %get3A_237] {strides = array<i32>} : memref<200x128xf32, #tpu.memory_space<vmem>>, vector<16xf32>,
      %get3A_239 = arith.index_cast %add3A_235 : i32 to index
      %get3A_240 = arith.constant 0 : index
      %get3A_241 = tpu.vector_load %arg9[%get3A_239, %get3A_240] {strides = array<i32>} : memref<200x128xi32, #tpu.memory_space<vmem>>, vector<16xi32>,
      %bitcast3A_242 = vector.bitcast %get3A_241 : vector<16xi32> to vector<32xbf16>
      %unpack3A_243 = tpu.unpack_subelements %bitcast3A_242, 0 {pack_format = #tpu.pack_format<interleaved>} : vector<32xbf16> -> vector<16xf32>
      %unpack3A_244 = tpu.unpack_subelements %bitcast3A_242, 1 {pack_format = #tpu.pack_format<interleaved>} : vector<32xbf16> -> vector<16xf32>
      %mul3A_245 = arith.mulf %get3A_238, %unpack3A_243 : vector<16xf32>
      %add3A_246 = arith.addf %add3A_140, %mul3A_245 : vector<16xf32>
      %mul3A_247 = arith.mulf %get3A_238, %unpack3A_244 : vector<16xf32>
      %add3A_248 = arith.addf %add3A_142, %mul3A_247 : vector<16xf32>
      %get3A_249 = arith.index_cast %add3A_235 : i32 to index
      %get3A_250 = arith.constant 16 : index
      %get3A_251 = tpu.vector_load %arg8[%get3A_249, %get3A_250] {strides = array<i32>} : memref<200x128xf32, #tpu.memory_space<vmem>>, vector<16xf32>,
      %get3A_252 = arith.index_cast %add3A_235 : i32 to index
      %get3A_253 = arith.constant 16 : index
      %get3A_254 = tpu.vector_load %arg9[%get3A_252, %get3A_253] {strides = array<i32>} : memref<200x128xi32, #tpu.memory_space<vmem>>, vector<16xi32>,
      %bitcast3A_255 = vector.bitcast %get3A_254 : vector<16xi32> to vector<32xbf16>
      %unpack3A_256 = tpu.unpack_subelements %bitcast3A_255, 0 {pack_format = #tpu.pack_format<interleaved>} : vector<32xbf16> -> vector<16xf32>
      %unpack3A_257 = tpu.unpack_subelements %bitcast3A_255, 1 {pack_format = #tpu.pack_format<interleaved>} : vector<32xbf16> -> vector<16xf32>
      %mul3A_258 = arith.mulf %get3A_251, %unpack3A_256 : vector<16xf32>
      %add3A_259 = arith.addf %add3A_153, %mul3A_258 : vector<16xf32>
      %mul3A_260 = arith.mulf %get3A_251, %unpack3A_257 : vector<16xf32>
      %add3A_261 = arith.addf %add3A_155, %mul3A_260 : vector<16xf32>
      %get3A_262 = arith.index_cast %add3A_235 : i32 to index
      %get3A_263 = arith.constant 32 : index
      %get3A_264 = tpu.vector_load %arg8[%get3A_262, %get3A_263] {strides = array<i32>} : memref<200x128xf32, #tpu.memory_space<vmem>>, vector<16xf32>,
      %get3A_265 = arith.index_cast %add3A_235 : i32 to index
      %get3A_266 = arith.constant 32 : index
      %get3A_267 = tpu.vector_load %arg9[%get3A_265, %get3A_266] {strides = array<i32>} : memref<200x128xi32, #tpu.memory_space<vmem>>, vector<16xi32>,
      %bitcast3A_268 = vector.bitcast %get3A_267 : vector<16xi32> to vector<32xbf16>
      %unpack3A_269 = tpu.unpack_subelements %bitcast3A_268, 0 {pack_format = #tpu.pack_format<interleaved>} : vector<32xbf16> -> vector<16xf32>
      %unpack3A_270 = tpu.unpack_subelements %bitcast3A_268, 1 {pack_format = #tpu.pack_format<interleaved>} : vector<32xbf16> -> vector<16xf32>
      %mul3A_271 = arith.mulf %get3A_264, %unpack3A_269 : vector<16xf32>
      %add3A_272 = arith.addf %add3A_166, %mul3A_271 : vector<16xf32>
      %mul3A_273 = arith.mulf %get3A_264, %unpack3A_270 : vector<16xf32>
      %add3A_274 = arith.addf %add3A_168, %mul3A_273 : vector<16xf32>
      %get3A_275 = arith.index_cast %add3A_235 : i32 to index
      %get3A_276 = arith.constant 48 : index
      %get3A_277 = tpu.vector_load %arg8[%get3A_275, %get3A_276] {strides = array<i32>} : memref<200x128xf32, #tpu.memory_space<vmem>>, vector<16xf32>,
      %get3A_278 = arith.index_cast %add3A_235 : i32 to index
      %get3A_279 = arith.constant 48 : index
      %get3A_280 = tpu.vector_load %arg9[%get3A_278, %get3A_279] {strides = array<i32>} : memref<200x128xi32, #tpu.memory_space<vmem>>, vector<16xi32>,
      %bitcast3A_281 = vector.bitcast %get3A_280 : vector<16xi32> to vector<32xbf16>
      %unpack3A_282 = tpu.unpack_subelements %bitcast3A_281, 0 {pack_format = #tpu.pack_format<interleaved>} : vector<32xbf16> -> vector<16xf32>
      %unpack3A_283 = tpu.unpack_subelements %bitcast3A_281, 1 {pack_format = #tpu.pack_format<interleaved>} : vector<32xbf16> -> vector<16xf32>
      %mul3A_284 = arith.mulf %get3A_277, %unpack3A_282 : vector<16xf32>
      %add3A_285 = arith.addf %add3A_179, %mul3A_284 : vector<16xf32>
      %mul3A_286 = arith.mulf %get3A_277, %unpack3A_283 : vector<16xf32>
      %add3A_287 = arith.addf %add3A_181, %mul3A_286 : vector<16xf32>
      %get3A_288 = arith.index_cast %add3A_235 : i32 to index
      %get3A_289 = arith.constant 64 : index
      %get3A_290 = tpu.vector_load %arg8[%get3A_288, %get3A_289] {strides = array<i32>} : memref<200x128xf32, #tpu.memory_space<vmem>>, vector<16xf32>,
      %get3A_291 = arith.index_cast %add3A_235 : i32 to index
      %get3A_292 = arith.constant 64 : index
      %get3A_293 = tpu.vector_load %arg9[%get3A_291, %get3A_292] {strides = array<i32>} : memref<200x128xi32, #tpu.memory_space<vmem>>, vector<16xi32>,
      %bitcast3A_294 = vector.bitcast %get3A_293 : vector<16xi32> to vector<32xbf16>
      %unpack3A_295 = tpu.unpack_subelements %bitcast3A_294, 0 {pack_format = #tpu.pack_format<interleaved>} : vector<32xbf16> -> vector<16xf32>
      %unpack3A_296 = tpu.unpack_subelements %bitcast3A_294, 1 {pack_format = #tpu.pack_format<interleaved>} : vector<32xbf16> -> vector<16xf32>
      %mul3A_297 = arith.mulf %get3A_290, %unpack3A_295 : vector<16xf32>
      %add3A_298 = arith.addf %add3A_192, %mul3A_297 : vector<16xf32>
      %mul3A_299 = arith.mulf %get3A_290, %unpack3A_296 : vector<16xf32>
      %add3A_300 = arith.addf %add3A_194, %mul3A_299 : vector<16xf32>
      %get3A_301 = arith.index_cast %add3A_235 : i32 to index
      %get3A_302 = arith.constant 80 : index
      %get3A_303 = tpu.vector_load %arg8[%get3A_301, %get3A_302] {strides = array<i32>} : memref<200x128xf32, #tpu.memory_space<vmem>>, vector<16xf32>,
      %get3A_304 = arith.index_cast %add3A_235 : i32 to index
      %get3A_305 = arith.constant 80 : index
      %get3A_306 = tpu.vector_load %arg9[%get3A_304, %get3A_305] {strides = array<i32>} : memref<200x128xi32, #tpu.memory_space<vmem>>, vector<16xi32>,
      %bitcast3A_307 = vector.bitcast %get3A_306 : vector<16xi32> to vector<32xbf16>
      %unpack3A_308 = tpu.unpack_subelements %bitcast3A_307, 0 {pack_format = #tpu.pack_format<interleaved>} : vector<32xbf16> -> vector<16xf32>
      %unpack3A_309 = tpu.unpack_subelements %bitcast3A_307, 1 {pack_format = #tpu.pack_format<interleaved>} : vector<32xbf16> -> vector<16xf32>
      %mul3A_310 = arith.mulf %get3A_303, %unpack3A_308 : vector<16xf32>
      %add3A_311 = arith.addf %add3A_205, %mul3A_310 : vector<16xf32>
      %mul3A_312 = arith.mulf %get3A_303, %unpack3A_309 : vector<16xf32>
      %add3A_313 = arith.addf %add3A_207, %mul3A_312 : vector<16xf32>
      %get3A_314 = arith.index_cast %add3A_235 : i32 to index
      %get3A_315 = arith.constant 96 : index
      %get3A_316 = tpu.vector_load %arg8[%get3A_314, %get3A_315] {strides = array<i32>} : memref<200x128xf32, #tpu.memory_space<vmem>>, vector<16xf32>,
      %get3A_317 = arith.index_cast %add3A_235 : i32 to index
      %get3A_318 = arith.constant 96 : index
      %get3A_319 = tpu.vector_load %arg9[%get3A_317, %get3A_318] {strides = array<i32>} : memref<200x128xi32, #tpu.memory_space<vmem>>, vector<16xi32>,
      %bitcast3A_320 = vector.bitcast %get3A_319 : vector<16xi32> to vector<32xbf16>
      %unpack3A_321 = tpu.unpack_subelements %bitcast3A_320, 0 {pack_format = #tpu.pack_format<interleaved>} : vector<32xbf16> -> vector<16xf32>
      %unpack3A_322 = tpu.unpack_subelements %bitcast3A_320, 1 {pack_format = #tpu.pack_format<interleaved>} : vector<32xbf16> -> vector<16xf32>
      %mul3A_323 = arith.mulf %get3A_316, %unpack3A_321 : vector<16xf32>
      %add3A_324 = arith.addf %add3A_218, %mul3A_323 : vector<16xf32>
      %mul3A_325 = arith.mulf %get3A_316, %unpack3A_322 : vector<16xf32>
      %add3A_326 = arith.addf %add3A_220, %mul3A_325 : vector<16xf32>
      %get3A_327 = arith.index_cast %add3A_235 : i32 to index
      %get3A_328 = arith.constant 112 : index
      %get3A_329 = tpu.vector_load %arg8[%get3A_327, %get3A_328] {strides = array<i32>} : memref<200x128xf32, #tpu.memory_space<vmem>>, vector<16xf32>,
      %get3A_330 = arith.index_cast %add3A_235 : i32 to index
      %get3A_331 = arith.constant 112 : index
      %get3A_332 = tpu.vector_load %arg9[%get3A_330, %get3A_331] {strides = array<i32>} : memref<200x128xi32, #tpu.memory_space<vmem>>, vector<16xi32>,
      %bitcast3A_333 = vector.bitcast %get3A_332 : vector<16xi32> to vector<32xbf16>
      %unpack3A_334 = tpu.unpack_subelements %bitcast3A_333, 0 {pack_format = #tpu.pack_format<interleaved>} : vector<32xbf16> -> vector<16xf32>
      %unpack3A_335 = tpu.unpack_subelements %bitcast3A_333, 1 {pack_format = #tpu.pack_format<interleaved>} : vector<32xbf16> -> vector<16xf32>
      %mul3A_336 = arith.mulf %get3A_329, %unpack3A_334 : vector<16xf32>
      %add3A_337 = arith.addf %add3A_231, %mul3A_336 : vector<16xf32>
      %mul3A_338 = arith.mulf %get3A_329, %unpack3A_335 : vector<16xf32>
      %add3A_339 = arith.addf %add3A_233, %mul3A_338 : vector<16xf32>
      %add3A_340 = arith.constant 2 : i32
      %add3A_341 = arith.addi %mul3A_120, %add3A_340 : i32
      %get3A_342 = arith.index_cast %add3A_341 : i32 to index
      %get3A_343 = arith.constant 0 : index
      %get3A_344 = tpu.vector_load %arg8[%get3A_342, %get3A_343] {strides = array<i32>} : memref<200x128xf32, #tpu.memory_space<vmem>>, vector<16xf32>,
      %get3A_345 = arith.index_cast %add3A_341 : i32 to index
      %get3A_346 = arith.constant 0 : index
      %get3A_347 = tpu.vector_load %arg9[%get3A_345, %get3A_346] {strides = array<i32>} : memref<200x128xi32, #tpu.memory_space<vmem>>, vector<16xi32>,
      %bitcast3A_348 = vector.bitcast %get3A_347 : vector<16xi32> to vector<32xbf16>
      %unpack3A_349 = tpu.unpack_subelements %bitcast3A_348, 0 {pack_format = #tpu.pack_format<interleaved>} : vector<32xbf16> -> vector<16xf32>
      %unpack3A_350 = tpu.unpack_subelements %bitcast3A_348, 1 {pack_format = #tpu.pack_format<interleaved>} : vector<32xbf16> -> vector<16xf32>
      %mul3A_351 = arith.mulf %get3A_344, %unpack3A_349 : vector<16xf32>
      %add3A_352 = arith.addf %add3A_246, %mul3A_351 : vector<16xf32>
      %mul3A_353 = arith.mulf %get3A_344, %unpack3A_350 : vector<16xf32>
      %add3A_354 = arith.addf %add3A_248, %mul3A_353 : vector<16xf32>
      %get3A_355 = arith.index_cast %add3A_341 : i32 to index
      %get3A_356 = arith.constant 16 : index
      %get3A_357 = tpu.vector_load %arg8[%get3A_355, %get3A_356] {strides = array<i32>} : memref<200x128xf32, #tpu.memory_space<vmem>>, vector<16xf32>,
      %get3A_358 = arith.index_cast %add3A_341 : i32 to index
      %get3A_359 = arith.constant 16 : index
      %get3A_360 = tpu.vector_load %arg9[%get3A_358, %get3A_359] {strides = array<i32>} : memref<200x128xi32, #tpu.memory_space<vmem>>, vector<16xi32>,
      %bitcast3A_361 = vector.bitcast %get3A_360 : vector<16xi32> to vector<32xbf16>
      %unpack3A_362 = tpu.unpack_subelements %bitcast3A_361, 0 {pack_format = #tpu.pack_format<interleaved>} : vector<32xbf16> -> vector<16xf32>
      %unpack3A_363 = tpu.unpack_subelements %bitcast3A_361, 1 {pack_format = #tpu.pack_format<interleaved>} : vector<32xbf16> -> vector<16xf32>
      %mul3A_364 = arith.mulf %get3A_357, %unpack3A_362 : vector<16xf32>
      %add3A_365 = arith.addf %add3A_259, %mul3A_364 : vector<16xf32>
      %mul3A_366 = arith.mulf %get3A_357, %unpack3A_363 : vector<16xf32>
      %add3A_367 = arith.addf %add3A_261, %mul3A_366 : vector<16xf32>
      %get3A_368 = arith.index_cast %add3A_341 : i32 to index
      %get3A_369 = arith.constant 32 : index
      %get3A_370 = tpu.vector_load %arg8[%get3A_368, %get3A_369] {strides = array<i32>} : memref<200x128xf32, #tpu.memory_space<vmem>>, vector<16xf32>,
      %get3A_371 = arith.index_cast %add3A_341 : i32 to index
      %get3A_372 = arith.constant 32 : index
      %get3A_373 = tpu.vector_load %arg9[%get3A_371, %get3A_372] {strides = array<i32>} : memref<200x128xi32, #tpu.memory_space<vmem>>, vector<16xi32>,
      %bitcast3A_374 = vector.bitcast %get3A_373 : vector<16xi32> to vector<32xbf16>
      %unpack3A_375 = tpu.unpack_subelements %bitcast3A_374, 0 {pack_format = #tpu.pack_format<interleaved>} : vector<32xbf16> -> vector<16xf32>
      %unpack3A_376 = tpu.unpack_subelements %bitcast3A_374, 1 {pack_format = #tpu.pack_format<interleaved>} : vector<32xbf16> -> vector<16xf32>
      %mul3A_377 = arith.mulf %get3A_370, %unpack3A_375 : vector<16xf32>
      %add3A_378 = arith.addf %add3A_272, %mul3A_377 : vector<16xf32>
      %mul3A_379 = arith.mulf %get3A_370, %unpack3A_376 : vector<16xf32>
      %add3A_380 = arith.addf %add3A_274, %mul3A_379 : vector<16xf32>
      %get3A_381 = arith.index_cast %add3A_341 : i32 to index
      %get3A_382 = arith.constant 48 : index
      %get3A_383 = tpu.vector_load %arg8[%get3A_381, %get3A_382] {strides = array<i32>} : memref<200x128xf32, #tpu.memory_space<vmem>>, vector<16xf32>,
      %get3A_384 = arith.index_cast %add3A_341 : i32 to index
      %get3A_385 = arith.constant 48 : index
      %get3A_386 = tpu.vector_load %arg9[%get3A_384, %get3A_385] {strides = array<i32>} : memref<200x128xi32, #tpu.memory_space<vmem>>, vector<16xi32>,
      %bitcast3A_387 = vector.bitcast %get3A_386 : vector<16xi32> to vector<32xbf16>
      %unpack3A_388 = tpu.unpack_subelements %bitcast3A_387, 0 {pack_format = #tpu.pack_format<interleaved>} : vector<32xbf16> -> vector<16xf32>
      %unpack3A_389 = tpu.unpack_subelements %bitcast3A_387, 1 {pack_format = #tpu.pack_format<interleaved>} : vector<32xbf16> -> vector<16xf32>
      %mul3A_390 = arith.mulf %get3A_383, %unpack3A_388 : vector<16xf32>
      %add3A_391 = arith.addf %add3A_285, %mul3A_390 : vector<16xf32>
      %mul3A_392 = arith.mulf %get3A_383, %unpack3A_389 : vector<16xf32>
      %add3A_393 = arith.addf %add3A_287, %mul3A_392 : vector<16xf32>
      %get3A_394 = arith.index_cast %add3A_341 : i32 to index
      %get3A_395 = arith.constant 64 : index
      %get3A_396 = tpu.vector_load %arg8[%get3A_394, %get3A_395] {strides = array<i32>} : memref<200x128xf32, #tpu.memory_space<vmem>>, vector<16xf32>,
      %get3A_397 = arith.index_cast %add3A_341 : i32 to index
      %get3A_398 = arith.constant 64 : index
      %get3A_399 = tpu.vector_load %arg9[%get3A_397, %get3A_398] {strides = array<i32>} : memref<200x128xi32, #tpu.memory_space<vmem>>, vector<16xi32>,
      %bitcast3A_400 = vector.bitcast %get3A_399 : vector<16xi32> to vector<32xbf16>
      %unpack3A_401 = tpu.unpack_subelements %bitcast3A_400, 0 {pack_format = #tpu.pack_format<interleaved>} : vector<32xbf16> -> vector<16xf32>
      %unpack3A_402 = tpu.unpack_subelements %bitcast3A_400, 1 {pack_format = #tpu.pack_format<interleaved>} : vector<32xbf16> -> vector<16xf32>
      %mul3A_403 = arith.mulf %get3A_396, %unpack3A_401 : vector<16xf32>
      %add3A_404 = arith.addf %add3A_298, %mul3A_403 : vector<16xf32>
      %mul3A_405 = arith.mulf %get3A_396, %unpack3A_402 : vector<16xf32>
      %add3A_406 = arith.addf %add3A_300, %mul3A_405 : vector<16xf32>
      %get3A_407 = arith.index_cast %add3A_341 : i32 to index
      %get3A_408 = arith.constant 80 : index
      %get3A_409 = tpu.vector_load %arg8[%get3A_407, %get3A_408] {strides = array<i32>} : memref<200x128xf32, #tpu.memory_space<vmem>>, vector<16xf32>,
      %get3A_410 = arith.index_cast %add3A_341 : i32 to index
      %get3A_411 = arith.constant 80 : index
      %get3A_412 = tpu.vector_load %arg9[%get3A_410, %get3A_411] {strides = array<i32>} : memref<200x128xi32, #tpu.memory_space<vmem>>, vector<16xi32>,
      %bitcast3A_413 = vector.bitcast %get3A_412 : vector<16xi32> to vector<32xbf16>
      %unpack3A_414 = tpu.unpack_subelements %bitcast3A_413, 0 {pack_format = #tpu.pack_format<interleaved>} : vector<32xbf16> -> vector<16xf32>
      %unpack3A_415 = tpu.unpack_subelements %bitcast3A_413, 1 {pack_format = #tpu.pack_format<interleaved>} : vector<32xbf16> -> vector<16xf32>
      %mul3A_416 = arith.mulf %get3A_409, %unpack3A_414 : vector<16xf32>
      %add3A_417 = arith.addf %add3A_311, %mul3A_416 : vector<16xf32>
      %mul3A_418 = arith.mulf %get3A_409, %unpack3A_415 : vector<16xf32>
      %add3A_419 = arith.addf %add3A_313, %mul3A_418 : vector<16xf32>
      %get3A_420 = arith.index_cast %add3A_341 : i32 to index
      %get3A_421 = arith.constant 96 : index
      %get3A_422 = tpu.vector_load %arg8[%get3A_420, %get3A_421] {strides = array<i32>} : memref<200x128xf32, #tpu.memory_space<vmem>>, vector<16xf32>,
      %get3A_423 = arith.index_cast %add3A_341 : i32 to index
      %get3A_424 = arith.constant 96 : index
      %get3A_425 = tpu.vector_load %arg9[%get3A_423, %get3A_424] {strides = array<i32>} : memref<200x128xi32, #tpu.memory_space<vmem>>, vector<16xi32>,
      %bitcast3A_426 = vector.bitcast %get3A_425 : vector<16xi32> to vector<32xbf16>
      %unpack3A_427 = tpu.unpack_subelements %bitcast3A_426, 0 {pack_format = #tpu.pack_format<interleaved>} : vector<32xbf16> -> vector<16xf32>
      %unpack3A_428 = tpu.unpack_subelements %bitcast3A_426, 1 {pack_format = #tpu.pack_format<interleaved>} : vector<32xbf16> -> vector<16xf32>
      %mul3A_429 = arith.mulf %get3A_422, %unpack3A_427 : vector<16xf32>
      %add3A_430 = arith.addf %add3A_324, %mul3A_429 : vector<16xf32>
      %mul3A_431 = arith.mulf %get3A_422, %unpack3A_428 : vector<16xf32>
      %add3A_432 = arith.addf %add3A_326, %mul3A_431 : vector<16xf32>
      %get3A_433 = arith.index_cast %add3A_341 : i32 to index
      %get3A_434 = arith.constant 112 : index
      %get3A_435 = tpu.vector_load %arg8[%get3A_433, %get3A_434] {strides = array<i32>} : memref<200x128xf32, #tpu.memory_space<vmem>>, vector<16xf32>,
      %get3A_436 = arith.index_cast %add3A_341 : i32 to index
      %get3A_437 = arith.constant 112 : index
      %get3A_438 = tpu.vector_load %arg9[%get3A_436, %get3A_437] {strides = array<i32>} : memref<200x128xi32, #tpu.memory_space<vmem>>, vector<16xi32>,
      %bitcast3A_439 = vector.bitcast %get3A_438 : vector<16xi32> to vector<32xbf16>
      %unpack3A_440 = tpu.unpack_subelements %bitcast3A_439, 0 {pack_format = #tpu.pack_format<interleaved>} : vector<32xbf16> -> vector<16xf32>
      %unpack3A_441 = tpu.unpack_subelements %bitcast3A_439, 1 {pack_format = #tpu.pack_format<interleaved>} : vector<32xbf16> -> vector<16xf32>
      %mul3A_442 = arith.mulf %get3A_435, %unpack3A_440 : vector<16xf32>
      %add3A_443 = arith.addf %add3A_337, %mul3A_442 : vector<16xf32>
      %mul3A_444 = arith.mulf %get3A_435, %unpack3A_441 : vector<16xf32>
      %add3A_445 = arith.addf %add3A_339, %mul3A_444 : vector<16xf32>
      %add3A_446 = arith.constant 3 : i32
      %add3A_447 = arith.addi %mul3A_120, %add3A_446 : i32
      %get3A_448 = arith.index_cast %add3A_447 : i32 to index
      %get3A_449 = arith.constant 0 : index
      %get3A_450 = tpu.vector_load %arg8[%get3A_448, %get3A_449] {strides = array<i32>} : memref<200x128xf32, #tpu.memory_space<vmem>>, vector<16xf32>,
      %get3A_451 = arith.index_cast %add3A_447 : i32 to index
      %get3A_452 = arith.constant 0 : index
      %get3A_453 = tpu.vector_load %arg9[%get3A_451, %get3A_452] {strides = array<i32>} : memref<200x128xi32, #tpu.memory_space<vmem>>, vector<16xi32>,
      %bitcast3A_454 = vector.bitcast %get3A_453 : vector<16xi32> to vector<32xbf16>
      %unpack3A_455 = tpu.unpack_subelements %bitcast3A_454, 0 {pack_format = #tpu.pack_format<interleaved>} : vector<32xbf16> -> vector<16xf32>
      %unpack3A_456 = tpu.unpack_subelements %bitcast3A_454, 1 {pack_format = #tpu.pack_format<interleaved>} : vector<32xbf16> -> vector<16xf32>
      %mul3A_457 = arith.mulf %get3A_450, %unpack3A_455 : vector<16xf32>
      %add3A_458 = arith.addf %add3A_352, %mul3A_457 : vector<16xf32>
      %mul3A_459 = arith.mulf %get3A_450, %unpack3A_456 : vector<16xf32>
      %add3A_460 = arith.addf %add3A_354, %mul3A_459 : vector<16xf32>
      %get3A_461 = arith.index_cast %add3A_447 : i32 to index
      %get3A_462 = arith.constant 16 : index
      %get3A_463 = tpu.vector_load %arg8[%get3A_461, %get3A_462] {strides = array<i32>} : memref<200x128xf32, #tpu.memory_space<vmem>>, vector<16xf32>,
      %get3A_464 = arith.index_cast %add3A_447 : i32 to index
      %get3A_465 = arith.constant 16 : index
      %get3A_466 = tpu.vector_load %arg9[%get3A_464, %get3A_465] {strides = array<i32>} : memref<200x128xi32, #tpu.memory_space<vmem>>, vector<16xi32>,
      %bitcast3A_467 = vector.bitcast %get3A_466 : vector<16xi32> to vector<32xbf16>
      %unpack3A_468 = tpu.unpack_subelements %bitcast3A_467, 0 {pack_format = #tpu.pack_format<interleaved>} : vector<32xbf16> -> vector<16xf32>
      %unpack3A_469 = tpu.unpack_subelements %bitcast3A_467, 1 {pack_format = #tpu.pack_format<interleaved>} : vector<32xbf16> -> vector<16xf32>
      %mul3A_470 = arith.mulf %get3A_463, %unpack3A_468 : vector<16xf32>
      %add3A_471 = arith.addf %add3A_365, %mul3A_470 : vector<16xf32>
      %mul3A_472 = arith.mulf %get3A_463, %unpack3A_469 : vector<16xf32>
      %add3A_473 = arith.addf %add3A_367, %mul3A_472 : vector<16xf32>
      %get3A_474 = arith.index_cast %add3A_447 : i32 to index
      %get3A_475 = arith.constant 32 : index
      %get3A_476 = tpu.vector_load %arg8[%get3A_474, %get3A_475] {strides = array<i32>} : memref<200x128xf32, #tpu.memory_space<vmem>>, vector<16xf32>,
      %get3A_477 = arith.index_cast %add3A_447 : i32 to index
      %get3A_478 = arith.constant 32 : index
      %get3A_479 = tpu.vector_load %arg9[%get3A_477, %get3A_478] {strides = array<i32>} : memref<200x128xi32, #tpu.memory_space<vmem>>, vector<16xi32>,
      %bitcast3A_480 = vector.bitcast %get3A_479 : vector<16xi32> to vector<32xbf16>
      %unpack3A_481 = tpu.unpack_subelements %bitcast3A_480, 0 {pack_format = #tpu.pack_format<interleaved>} : vector<32xbf16> -> vector<16xf32>
      %unpack3A_482 = tpu.unpack_subelements %bitcast3A_480, 1 {pack_format = #tpu.pack_format<interleaved>} : vector<32xbf16> -> vector<16xf32>
      %mul3A_483 = arith.mulf %get3A_476, %unpack3A_481 : vector<16xf32>
      %add3A_484 = arith.addf %add3A_378, %mul3A_483 : vector<16xf32>
      %mul3A_485 = arith.mulf %get3A_476, %unpack3A_482 : vector<16xf32>
      %add3A_486 = arith.addf %add3A_380, %mul3A_485 : vector<16xf32>
      %get3A_487 = arith.index_cast %add3A_447 : i32 to index
      %get3A_488 = arith.constant 48 : index
      %get3A_489 = tpu.vector_load %arg8[%get3A_487, %get3A_488] {strides = array<i32>} : memref<200x128xf32, #tpu.memory_space<vmem>>, vector<16xf32>,
      %get3A_490 = arith.index_cast %add3A_447 : i32 to index
      %get3A_491 = arith.constant 48 : index
      %get3A_492 = tpu.vector_load %arg9[%get3A_490, %get3A_491] {strides = array<i32>} : memref<200x128xi32, #tpu.memory_space<vmem>>, vector<16xi32>,
      %bitcast3A_493 = vector.bitcast %get3A_492 : vector<16xi32> to vector<32xbf16>
      %unpack3A_494 = tpu.unpack_subelements %bitcast3A_493, 0 {pack_format = #tpu.pack_format<interleaved>} : vector<32xbf16> -> vector<16xf32>
      %unpack3A_495 = tpu.unpack_subelements %bitcast3A_493, 1 {pack_format = #tpu.pack_format<interleaved>} : vector<32xbf16> -> vector<16xf32>
      %mul3A_496 = arith.mulf %get3A_489, %unpack3A_494 : vector<16xf32>
      %add3A_497 = arith.addf %add3A_391, %mul3A_496 : vector<16xf32>
      %mul3A_498 = arith.mulf %get3A_489, %unpack3A_495 : vector<16xf32>
      %add3A_499 = arith.addf %add3A_393, %mul3A_498 : vector<16xf32>
      %get3A_500 = arith.index_cast %add3A_447 : i32 to index
      %get3A_501 = arith.constant 64 : index
      %get3A_502 = tpu.vector_load %arg8[%get3A_500, %get3A_501] {strides = array<i32>} : memref<200x128xf32, #tpu.memory_space<vmem>>, vector<16xf32>,
      %get3A_503 = arith.index_cast %add3A_447 : i32 to index
      %get3A_504 = arith.constant 64 : index
      %get3A_505 = tpu.vector_load %arg9[%get3A_503, %get3A_504] {strides = array<i32>} : memref<200x128xi32, #tpu.memory_space<vmem>>, vector<16xi32>,
      %bitcast3A_506 = vector.bitcast %get3A_505 : vector<16xi32> to vector<32xbf16>
      %unpack3A_507 = tpu.unpack_subelements %bitcast3A_506, 0 {pack_format = #tpu.pack_format<interleaved>} : vector<32xbf16> -> vector<16xf32>
      %unpack3A_508 = tpu.unpack_subelements %bitcast3A_506, 1 {pack_format = #tpu.pack_format<interleaved>} : vector<32xbf16> -> vector<16xf32>
      %mul3A_509 = arith.mulf %get3A_502, %unpack3A_507 : vector<16xf32>
      %add3A_510 = arith.addf %add3A_404, %mul3A_509 : vector<16xf32>
      %mul3A_511 = arith.mulf %get3A_502, %unpack3A_508 : vector<16xf32>
      %add3A_512 = arith.addf %add3A_406, %mul3A_511 : vector<16xf32>
      %get3A_513 = arith.index_cast %add3A_447 : i32 to index
      %get3A_514 = arith.constant 80 : index
      %get3A_515 = tpu.vector_load %arg8[%get3A_513, %get3A_514] {strides = array<i32>} : memref<200x128xf32, #tpu.memory_space<vmem>>, vector<16xf32>,
      %get3A_516 = arith.index_cast %add3A_447 : i32 to index
      %get3A_517 = arith.constant 80 : index
      %get3A_518 = tpu.vector_load %arg9[%get3A_516, %get3A_517] {strides = array<i32>} : memref<200x128xi32, #tpu.memory_space<vmem>>, vector<16xi32>,
      %bitcast3A_519 = vector.bitcast %get3A_518 : vector<16xi32> to vector<32xbf16>
      %unpack3A_520 = tpu.unpack_subelements %bitcast3A_519, 0 {pack_format = #tpu.pack_format<interleaved>} : vector<32xbf16> -> vector<16xf32>
      %unpack3A_521 = tpu.unpack_subelements %bitcast3A_519, 1 {pack_format = #tpu.pack_format<interleaved>} : vector<32xbf16> -> vector<16xf32>
      %mul3A_522 = arith.mulf %get3A_515, %unpack3A_520 : vector<16xf32>
      %add3A_523 = arith.addf %add3A_417, %mul3A_522 : vector<16xf32>
      %mul3A_524 = arith.mulf %get3A_515, %unpack3A_521 : vector<16xf32>
      %add3A_525 = arith.addf %add3A_419, %mul3A_524 : vector<16xf32>
      %get3A_526 = arith.index_cast %add3A_447 : i32 to index
      %get3A_527 = arith.constant 96 : index
      %get3A_528 = tpu.vector_load %arg8[%get3A_526, %get3A_527] {strides = array<i32>} : memref<200x128xf32, #tpu.memory_space<vmem>>, vector<16xf32>,
      %get3A_529 = arith.index_cast %add3A_447 : i32 to index
      %get3A_530 = arith.constant 96 : index
      %get3A_531 = tpu.vector_load %arg9[%get3A_529, %get3A_530] {strides = array<i32>} : memref<200x128xi32, #tpu.memory_space<vmem>>, vector<16xi32>,
      %bitcast3A_532 = vector.bitcast %get3A_531 : vector<16xi32> to vector<32xbf16>
      %unpack3A_533 = tpu.unpack_subelements %bitcast3A_532, 0 {pack_format = #tpu.pack_format<interleaved>} : vector<32xbf16> -> vector<16xf32>
      %unpack3A_534 = tpu.unpack_subelements %bitcast3A_532, 1 {pack_format = #tpu.pack_format<interleaved>} : vector<32xbf16> -> vector<16xf32>
      %mul3A_535 = arith.mulf %get3A_528, %unpack3A_533 : vector<16xf32>
      %add3A_536 = arith.addf %add3A_430, %mul3A_535 : vector<16xf32>
      %mul3A_537 = arith.mulf %get3A_528, %unpack3A_534 : vector<16xf32>
      %add3A_538 = arith.addf %add3A_432, %mul3A_537 : vector<16xf32>
      %get3A_539 = arith.index_cast %add3A_447 : i32 to index
      %get3A_540 = arith.constant 112 : index
      %get3A_541 = tpu.vector_load %arg8[%get3A_539, %get3A_540] {strides = array<i32>} : memref<200x128xf32, #tpu.memory_space<vmem>>, vector<16xf32>,
      %get3A_542 = arith.index_cast %add3A_447 : i32 to index
      %get3A_543 = arith.constant 112 : index
      %get3A_544 = tpu.vector_load %arg9[%get3A_542, %get3A_543] {strides = array<i32>} : memref<200x128xi32, #tpu.memory_space<vmem>>, vector<16xi32>,
      %bitcast3A_545 = vector.bitcast %get3A_544 : vector<16xi32> to vector<32xbf16>
      %unpack3A_546 = tpu.unpack_subelements %bitcast3A_545, 0 {pack_format = #tpu.pack_format<interleaved>} : vector<32xbf16> -> vector<16xf32>
      %unpack3A_547 = tpu.unpack_subelements %bitcast3A_545, 1 {pack_format = #tpu.pack_format<interleaved>} : vector<32xbf16> -> vector<16xf32>
      %mul3A_548 = arith.mulf %get3A_541, %unpack3A_546 : vector<16xf32>
      %add3A_549 = arith.addf %add3A_443, %mul3A_548 : vector<16xf32>
      %mul3A_550 = arith.mulf %get3A_541, %unpack3A_547 : vector<16xf32>
      %add3A_551 = arith.addf %add3A_445, %mul3A_550 : vector<16xf32>
      %add3A_552 = arith.constant 4 : i32
      %add3A_553 = arith.addi %mul3A_120, %add3A_552 : i32
      %get3A_554 = arith.index_cast %add3A_553 : i32 to index
      %get3A_555 = arith.constant 0 : index
      %get3A_556 = tpu.vector_load %arg8[%get3A_554, %get3A_555] {strides = array<i32>} : memref<200x128xf32, #tpu.memory_space<vmem>>, vector<16xf32>,
      %get3A_557 = arith.index_cast %add3A_553 : i32 to index
      %get3A_558 = arith.constant 0 : index
      %get3A_559 = tpu.vector_load %arg9[%get3A_557, %get3A_558] {strides = array<i32>} : memref<200x128xi32, #tpu.memory_space<vmem>>, vector<16xi32>,
      %bitcast3A_560 = vector.bitcast %get3A_559 : vector<16xi32> to vector<32xbf16>
      %unpack3A_561 = tpu.unpack_subelements %bitcast3A_560, 0 {pack_format = #tpu.pack_format<interleaved>} : vector<32xbf16> -> vector<16xf32>
      %unpack3A_562 = tpu.unpack_subelements %bitcast3A_560, 1 {pack_format = #tpu.pack_format<interleaved>} : vector<32xbf16> -> vector<16xf32>
      %mul3A_563 = arith.mulf %get3A_556, %unpack3A_561 : vector<16xf32>
      %add3A_564 = arith.addf %add3A_458, %mul3A_563 : vector<16xf32>
      %mul3A_565 = arith.mulf %get3A_556, %unpack3A_562 : vector<16xf32>
      %add3A_566 = arith.addf %add3A_460, %mul3A_565 : vector<16xf32>
      %get3A_567 = arith.index_cast %add3A_553 : i32 to index
      %get3A_568 = arith.constant 16 : index
      %get3A_569 = tpu.vector_load %arg8[%get3A_567, %get3A_568] {strides = array<i32>} : memref<200x128xf32, #tpu.memory_space<vmem>>, vector<16xf32>,
      %get3A_570 = arith.index_cast %add3A_553 : i32 to index
      %get3A_571 = arith.constant 16 : index
      %get3A_572 = tpu.vector_load %arg9[%get3A_570, %get3A_571] {strides = array<i32>} : memref<200x128xi32, #tpu.memory_space<vmem>>, vector<16xi32>,
      %bitcast3A_573 = vector.bitcast %get3A_572 : vector<16xi32> to vector<32xbf16>
      %unpack3A_574 = tpu.unpack_subelements %bitcast3A_573, 0 {pack_format = #tpu.pack_format<interleaved>} : vector<32xbf16> -> vector<16xf32>
      %unpack3A_575 = tpu.unpack_subelements %bitcast3A_573, 1 {pack_format = #tpu.pack_format<interleaved>} : vector<32xbf16> -> vector<16xf32>
      %mul3A_576 = arith.mulf %get3A_569, %unpack3A_574 : vector<16xf32>
      %add3A_577 = arith.addf %add3A_471, %mul3A_576 : vector<16xf32>
      %mul3A_578 = arith.mulf %get3A_569, %unpack3A_575 : vector<16xf32>
      %add3A_579 = arith.addf %add3A_473, %mul3A_578 : vector<16xf32>
      %get3A_580 = arith.index_cast %add3A_553 : i32 to index
      %get3A_581 = arith.constant 32 : index
      %get3A_582 = tpu.vector_load %arg8[%get3A_580, %get3A_581] {strides = array<i32>} : memref<200x128xf32, #tpu.memory_space<vmem>>, vector<16xf32>,
      %get3A_583 = arith.index_cast %add3A_553 : i32 to index
      %get3A_584 = arith.constant 32 : index
      %get3A_585 = tpu.vector_load %arg9[%get3A_583, %get3A_584] {strides = array<i32>} : memref<200x128xi32, #tpu.memory_space<vmem>>, vector<16xi32>,
      %bitcast3A_586 = vector.bitcast %get3A_585 : vector<16xi32> to vector<32xbf16>
      %unpack3A_587 = tpu.unpack_subelements %bitcast3A_586, 0 {pack_format = #tpu.pack_format<interleaved>} : vector<32xbf16> -> vector<16xf32>
      %unpack3A_588 = tpu.unpack_subelements %bitcast3A_586, 1 {pack_format = #tpu.pack_format<interleaved>} : vector<32xbf16> -> vector<16xf32>
      %mul3A_589 = arith.mulf %get3A_582, %unpack3A_587 : vector<16xf32>
      %add3A_590 = arith.addf %add3A_484, %mul3A_589 : vector<16xf32>
      %mul3A_591 = arith.mulf %get3A_582, %unpack3A_588 : vector<16xf32>
      %add3A_592 = arith.addf %add3A_486, %mul3A_591 : vector<16xf32>
      %get3A_593 = arith.index_cast %add3A_553 : i32 to index
      %get3A_594 = arith.constant 48 : index
      %get3A_595 = tpu.vector_load %arg8[%get3A_593, %get3A_594] {strides = array<i32>} : memref<200x128xf32, #tpu.memory_space<vmem>>, vector<16xf32>,
      %get3A_596 = arith.index_cast %add3A_553 : i32 to index
      %get3A_597 = arith.constant 48 : index
      %get3A_598 = tpu.vector_load %arg9[%get3A_596, %get3A_597] {strides = array<i32>} : memref<200x128xi32, #tpu.memory_space<vmem>>, vector<16xi32>,
      %bitcast3A_599 = vector.bitcast %get3A_598 : vector<16xi32> to vector<32xbf16>
      %unpack3A_600 = tpu.unpack_subelements %bitcast3A_599, 0 {pack_format = #tpu.pack_format<interleaved>} : vector<32xbf16> -> vector<16xf32>
      %unpack3A_601 = tpu.unpack_subelements %bitcast3A_599, 1 {pack_format = #tpu.pack_format<interleaved>} : vector<32xbf16> -> vector<16xf32>
      %mul3A_602 = arith.mulf %get3A_595, %unpack3A_600 : vector<16xf32>
      %add3A_603 = arith.addf %add3A_497, %mul3A_602 : vector<16xf32>
      %mul3A_604 = arith.mulf %get3A_595, %unpack3A_601 : vector<16xf32>
      %add3A_605 = arith.addf %add3A_499, %mul3A_604 : vector<16xf32>
      %get3A_606 = arith.index_cast %add3A_553 : i32 to index
      %get3A_607 = arith.constant 64 : index
      %get3A_608 = tpu.vector_load %arg8[%get3A_606, %get3A_607] {strides = array<i32>} : memref<200x128xf32, #tpu.memory_space<vmem>>, vector<16xf32>,
      %get3A_609 = arith.index_cast %add3A_553 : i32 to index
      %get3A_610 = arith.constant 64 : index
      %get3A_611 = tpu.vector_load %arg9[%get3A_609, %get3A_610] {strides = array<i32>} : memref<200x128xi32, #tpu.memory_space<vmem>>, vector<16xi32>,
      %bitcast3A_612 = vector.bitcast %get3A_611 : vector<16xi32> to vector<32xbf16>
      %unpack3A_613 = tpu.unpack_subelements %bitcast3A_612, 0 {pack_format = #tpu.pack_format<interleaved>} : vector<32xbf16> -> vector<16xf32>
      %unpack3A_614 = tpu.unpack_subelements %bitcast3A_612, 1 {pack_format = #tpu.pack_format<interleaved>} : vector<32xbf16> -> vector<16xf32>
      %mul3A_615 = arith.mulf %get3A_608, %unpack3A_613 : vector<16xf32>
      %add3A_616 = arith.addf %add3A_510, %mul3A_615 : vector<16xf32>
      %mul3A_617 = arith.mulf %get3A_608, %unpack3A_614 : vector<16xf32>
      %add3A_618 = arith.addf %add3A_512, %mul3A_617 : vector<16xf32>
      %get3A_619 = arith.index_cast %add3A_553 : i32 to index
      %get3A_620 = arith.constant 80 : index
      %get3A_621 = tpu.vector_load %arg8[%get3A_619, %get3A_620] {strides = array<i32>} : memref<200x128xf32, #tpu.memory_space<vmem>>, vector<16xf32>,
      %get3A_622 = arith.index_cast %add3A_553 : i32 to index
      %get3A_623 = arith.constant 80 : index
      %get3A_624 = tpu.vector_load %arg9[%get3A_622, %get3A_623] {strides = array<i32>} : memref<200x128xi32, #tpu.memory_space<vmem>>, vector<16xi32>,
      %bitcast3A_625 = vector.bitcast %get3A_624 : vector<16xi32> to vector<32xbf16>
      %unpack3A_626 = tpu.unpack_subelements %bitcast3A_625, 0 {pack_format = #tpu.pack_format<interleaved>} : vector<32xbf16> -> vector<16xf32>
      %unpack3A_627 = tpu.unpack_subelements %bitcast3A_625, 1 {pack_format = #tpu.pack_format<interleaved>} : vector<32xbf16> -> vector<16xf32>
      %mul3A_628 = arith.mulf %get3A_621, %unpack3A_626 : vector<16xf32>
      %add3A_629 = arith.addf %add3A_523, %mul3A_628 : vector<16xf32>
      %mul3A_630 = arith.mulf %get3A_621, %unpack3A_627 : vector<16xf32>
      %add3A_631 = arith.addf %add3A_525, %mul3A_630 : vector<16xf32>
      %get3A_632 = arith.index_cast %add3A_553 : i32 to index
      %get3A_633 = arith.constant 96 : index
      %get3A_634 = tpu.vector_load %arg8[%get3A_632, %get3A_633] {strides = array<i32>} : memref<200x128xf32, #tpu.memory_space<vmem>>, vector<16xf32>,
      %get3A_635 = arith.index_cast %add3A_553 : i32 to index
      %get3A_636 = arith.constant 96 : index
      %get3A_637 = tpu.vector_load %arg9[%get3A_635, %get3A_636] {strides = array<i32>} : memref<200x128xi32, #tpu.memory_space<vmem>>, vector<16xi32>,
      %bitcast3A_638 = vector.bitcast %get3A_637 : vector<16xi32> to vector<32xbf16>
      %unpack3A_639 = tpu.unpack_subelements %bitcast3A_638, 0 {pack_format = #tpu.pack_format<interleaved>} : vector<32xbf16> -> vector<16xf32>
      %unpack3A_640 = tpu.unpack_subelements %bitcast3A_638, 1 {pack_format = #tpu.pack_format<interleaved>} : vector<32xbf16> -> vector<16xf32>
      %mul3A_641 = arith.mulf %get3A_634, %unpack3A_639 : vector<16xf32>
      %add3A_642 = arith.addf %add3A_536, %mul3A_641 : vector<16xf32>
      %mul3A_643 = arith.mulf %get3A_634, %unpack3A_640 : vector<16xf32>
      %add3A_644 = arith.addf %add3A_538, %mul3A_643 : vector<16xf32>
      %get3A_645 = arith.index_cast %add3A_553 : i32 to index
      %get3A_646 = arith.constant 112 : index
      %get3A_647 = tpu.vector_load %arg8[%get3A_645, %get3A_646] {strides = array<i32>} : memref<200x128xf32, #tpu.memory_space<vmem>>, vector<16xf32>,
      %get3A_648 = arith.index_cast %add3A_553 : i32 to index
      %get3A_649 = arith.constant 112 : index
      %get3A_650 = tpu.vector_load %arg9[%get3A_648, %get3A_649] {strides = array<i32>} : memref<200x128xi32, #tpu.memory_space<vmem>>, vector<16xi32>,
      %bitcast3A_651 = vector.bitcast %get3A_650 : vector<16xi32> to vector<32xbf16>
      %unpack3A_652 = tpu.unpack_subelements %bitcast3A_651, 0 {pack_format = #tpu.pack_format<interleaved>} : vector<32xbf16> -> vector<16xf32>
      %unpack3A_653 = tpu.unpack_subelements %bitcast3A_651, 1 {pack_format = #tpu.pack_format<interleaved>} : vector<32xbf16> -> vector<16xf32>
      %mul3A_654 = arith.mulf %get3A_647, %unpack3A_652 : vector<16xf32>
      %add3A_655 = arith.addf %add3A_549, %mul3A_654 : vector<16xf32>
      %mul3A_656 = arith.mulf %get3A_647, %unpack3A_653 : vector<16xf32>
      %add3A_657 = arith.addf %add3A_551, %mul3A_656 : vector<16xf32>
      %add3A_658 = arith.constant 5 : i32
      %add3A_659 = arith.addi %mul3A_120, %add3A_658 : i32
      %get3A_660 = arith.index_cast %add3A_659 : i32 to index
      %get3A_661 = arith.constant 0 : index
      %get3A_662 = tpu.vector_load %arg8[%get3A_660, %get3A_661] {strides = array<i32>} : memref<200x128xf32, #tpu.memory_space<vmem>>, vector<16xf32>,
      %get3A_663 = arith.index_cast %add3A_659 : i32 to index
      %get3A_664 = arith.constant 0 : index
      %get3A_665 = tpu.vector_load %arg9[%get3A_663, %get3A_664] {strides = array<i32>} : memref<200x128xi32, #tpu.memory_space<vmem>>, vector<16xi32>,
      %bitcast3A_666 = vector.bitcast %get3A_665 : vector<16xi32> to vector<32xbf16>
      %unpack3A_667 = tpu.unpack_subelements %bitcast3A_666, 0 {pack_format = #tpu.pack_format<interleaved>} : vector<32xbf16> -> vector<16xf32>
      %unpack3A_668 = tpu.unpack_subelements %bitcast3A_666, 1 {pack_format = #tpu.pack_format<interleaved>} : vector<32xbf16> -> vector<16xf32>
      %mul3A_669 = arith.mulf %get3A_662, %unpack3A_667 : vector<16xf32>
      %add3A_670 = arith.addf %add3A_564, %mul3A_669 : vector<16xf32>
      %mul3A_671 = arith.mulf %get3A_662, %unpack3A_668 : vector<16xf32>
      %add3A_672 = arith.addf %add3A_566, %mul3A_671 : vector<16xf32>
      %get3A_673 = arith.index_cast %add3A_659 : i32 to index
      %get3A_674 = arith.constant 16 : index
      %get3A_675 = tpu.vector_load %arg8[%get3A_673, %get3A_674] {strides = array<i32>} : memref<200x128xf32, #tpu.memory_space<vmem>>, vector<16xf32>,
      %get3A_676 = arith.index_cast %add3A_659 : i32 to index
      %get3A_677 = arith.constant 16 : index
      %get3A_678 = tpu.vector_load %arg9[%get3A_676, %get3A_677] {strides = array<i32>} : memref<200x128xi32, #tpu.memory_space<vmem>>, vector<16xi32>,
      %bitcast3A_679 = vector.bitcast %get3A_678 : vector<16xi32> to vector<32xbf16>
      %unpack3A_680 = tpu.unpack_subelements %bitcast3A_679, 0 {pack_format = #tpu.pack_format<interleaved>} : vector<32xbf16> -> vector<16xf32>
      %unpack3A_681 = tpu.unpack_subelements %bitcast3A_679, 1 {pack_format = #tpu.pack_format<interleaved>} : vector<32xbf16> -> vector<16xf32>
      %mul3A_682 = arith.mulf %get3A_675, %unpack3A_680 : vector<16xf32>
      %add3A_683 = arith.addf %add3A_577, %mul3A_682 : vector<16xf32>
      %mul3A_684 = arith.mulf %get3A_675, %unpack3A_681 : vector<16xf32>
      %add3A_685 = arith.addf %add3A_579, %mul3A_684 : vector<16xf32>
      %get3A_686 = arith.index_cast %add3A_659 : i32 to index
      %get3A_687 = arith.constant 32 : index
      %get3A_688 = tpu.vector_load %arg8[%get3A_686, %get3A_687] {strides = array<i32>} : memref<200x128xf32, #tpu.memory_space<vmem>>, vector<16xf32>,
      %get3A_689 = arith.index_cast %add3A_659 : i32 to index
      %get3A_690 = arith.constant 32 : index
      %get3A_691 = tpu.vector_load %arg9[%get3A_689, %get3A_690] {strides = array<i32>} : memref<200x128xi32, #tpu.memory_space<vmem>>, vector<16xi32>,
      %bitcast3A_692 = vector.bitcast %get3A_691 : vector<16xi32> to vector<32xbf16>
      %unpack3A_693 = tpu.unpack_subelements %bitcast3A_692, 0 {pack_format = #tpu.pack_format<interleaved>} : vector<32xbf16> -> vector<16xf32>
      %unpack3A_694 = tpu.unpack_subelements %bitcast3A_692, 1 {pack_format = #tpu.pack_format<interleaved>} : vector<32xbf16> -> vector<16xf32>
      %mul3A_695 = arith.mulf %get3A_688, %unpack3A_693 : vector<16xf32>
      %add3A_696 = arith.addf %add3A_590, %mul3A_695 : vector<16xf32>
      %mul3A_697 = arith.mulf %get3A_688, %unpack3A_694 : vector<16xf32>
      %add3A_698 = arith.addf %add3A_592, %mul3A_697 : vector<16xf32>
      %get3A_699 = arith.index_cast %add3A_659 : i32 to index
      %get3A_700 = arith.constant 48 : index
      %get3A_701 = tpu.vector_load %arg8[%get3A_699, %get3A_700] {strides = array<i32>} : memref<200x128xf32, #tpu.memory_space<vmem>>, vector<16xf32>,
      %get3A_702 = arith.index_cast %add3A_659 : i32 to index
      %get3A_703 = arith.constant 48 : index
      %get3A_704 = tpu.vector_load %arg9[%get3A_702, %get3A_703] {strides = array<i32>} : memref<200x128xi32, #tpu.memory_space<vmem>>, vector<16xi32>,
      %bitcast3A_705 = vector.bitcast %get3A_704 : vector<16xi32> to vector<32xbf16>
      %unpack3A_706 = tpu.unpack_subelements %bitcast3A_705, 0 {pack_format = #tpu.pack_format<interleaved>} : vector<32xbf16> -> vector<16xf32>
      %unpack3A_707 = tpu.unpack_subelements %bitcast3A_705, 1 {pack_format = #tpu.pack_format<interleaved>} : vector<32xbf16> -> vector<16xf32>
      %mul3A_708 = arith.mulf %get3A_701, %unpack3A_706 : vector<16xf32>
      %add3A_709 = arith.addf %add3A_603, %mul3A_708 : vector<16xf32>
      %mul3A_710 = arith.mulf %get3A_701, %unpack3A_707 : vector<16xf32>
      %add3A_711 = arith.addf %add3A_605, %mul3A_710 : vector<16xf32>
      %get3A_712 = arith.index_cast %add3A_659 : i32 to index
      %get3A_713 = arith.constant 64 : index
      %get3A_714 = tpu.vector_load %arg8[%get3A_712, %get3A_713] {strides = array<i32>} : memref<200x128xf32, #tpu.memory_space<vmem>>, vector<16xf32>,
      %get3A_715 = arith.index_cast %add3A_659 : i32 to index
      %get3A_716 = arith.constant 64 : index
      %get3A_717 = tpu.vector_load %arg9[%get3A_715, %get3A_716] {strides = array<i32>} : memref<200x128xi32, #tpu.memory_space<vmem>>, vector<16xi32>,
      %bitcast3A_718 = vector.bitcast %get3A_717 : vector<16xi32> to vector<32xbf16>
      %unpack3A_719 = tpu.unpack_subelements %bitcast3A_718, 0 {pack_format = #tpu.pack_format<interleaved>} : vector<32xbf16> -> vector<16xf32>
      %unpack3A_720 = tpu.unpack_subelements %bitcast3A_718, 1 {pack_format = #tpu.pack_format<interleaved>} : vector<32xbf16> -> vector<16xf32>
      %mul3A_721 = arith.mulf %get3A_714, %unpack3A_719 : vector<16xf32>
      %add3A_722 = arith.addf %add3A_616, %mul3A_721 : vector<16xf32>
      %mul3A_723 = arith.mulf %get3A_714, %unpack3A_720 : vector<16xf32>
      %add3A_724 = arith.addf %add3A_618, %mul3A_723 : vector<16xf32>
      %get3A_725 = arith.index_cast %add3A_659 : i32 to index
      %get3A_726 = arith.constant 80 : index
      %get3A_727 = tpu.vector_load %arg8[%get3A_725, %get3A_726] {strides = array<i32>} : memref<200x128xf32, #tpu.memory_space<vmem>>, vector<16xf32>,
      %get3A_728 = arith.index_cast %add3A_659 : i32 to index
      %get3A_729 = arith.constant 80 : index
      %get3A_730 = tpu.vector_load %arg9[%get3A_728, %get3A_729] {strides = array<i32>} : memref<200x128xi32, #tpu.memory_space<vmem>>, vector<16xi32>,
      %bitcast3A_731 = vector.bitcast %get3A_730 : vector<16xi32> to vector<32xbf16>
      %unpack3A_732 = tpu.unpack_subelements %bitcast3A_731, 0 {pack_format = #tpu.pack_format<interleaved>} : vector<32xbf16> -> vector<16xf32>
      %unpack3A_733 = tpu.unpack_subelements %bitcast3A_731, 1 {pack_format = #tpu.pack_format<interleaved>} : vector<32xbf16> -> vector<16xf32>
      %mul3A_734 = arith.mulf %get3A_727, %unpack3A_732 : vector<16xf32>
      %add3A_735 = arith.addf %add3A_629, %mul3A_734 : vector<16xf32>
      %mul3A_736 = arith.mulf %get3A_727, %unpack3A_733 : vector<16xf32>
      %add3A_737 = arith.addf %add3A_631, %mul3A_736 : vector<16xf32>
      %get3A_738 = arith.index_cast %add3A_659 : i32 to index
      %get3A_739 = arith.constant 96 : index
      %get3A_740 = tpu.vector_load %arg8[%get3A_738, %get3A_739] {strides = array<i32>} : memref<200x128xf32, #tpu.memory_space<vmem>>, vector<16xf32>,
      %get3A_741 = arith.index_cast %add3A_659 : i32 to index
      %get3A_742 = arith.constant 96 : index
      %get3A_743 = tpu.vector_load %arg9[%get3A_741, %get3A_742] {strides = array<i32>} : memref<200x128xi32, #tpu.memory_space<vmem>>, vector<16xi32>,
      %bitcast3A_744 = vector.bitcast %get3A_743 : vector<16xi32> to vector<32xbf16>
      %unpack3A_745 = tpu.unpack_subelements %bitcast3A_744, 0 {pack_format = #tpu.pack_format<interleaved>} : vector<32xbf16> -> vector<16xf32>
      %unpack3A_746 = tpu.unpack_subelements %bitcast3A_744, 1 {pack_format = #tpu.pack_format<interleaved>} : vector<32xbf16> -> vector<16xf32>
      %mul3A_747 = arith.mulf %get3A_740, %unpack3A_745 : vector<16xf32>
      %add3A_748 = arith.addf %add3A_642, %mul3A_747 : vector<16xf32>
      %mul3A_749 = arith.mulf %get3A_740, %unpack3A_746 : vector<16xf32>
      %add3A_750 = arith.addf %add3A_644, %mul3A_749 : vector<16xf32>
      %get3A_751 = arith.index_cast %add3A_659 : i32 to index
      %get3A_752 = arith.constant 112 : index
      %get3A_753 = tpu.vector_load %arg8[%get3A_751, %get3A_752] {strides = array<i32>} : memref<200x128xf32, #tpu.memory_space<vmem>>, vector<16xf32>,
      %get3A_754 = arith.index_cast %add3A_659 : i32 to index
      %get3A_755 = arith.constant 112 : index
      %get3A_756 = tpu.vector_load %arg9[%get3A_754, %get3A_755] {strides = array<i32>} : memref<200x128xi32, #tpu.memory_space<vmem>>, vector<16xi32>,
      %bitcast3A_757 = vector.bitcast %get3A_756 : vector<16xi32> to vector<32xbf16>
      %unpack3A_758 = tpu.unpack_subelements %bitcast3A_757, 0 {pack_format = #tpu.pack_format<interleaved>} : vector<32xbf16> -> vector<16xf32>
      %unpack3A_759 = tpu.unpack_subelements %bitcast3A_757, 1 {pack_format = #tpu.pack_format<interleaved>} : vector<32xbf16> -> vector<16xf32>
      %mul3A_760 = arith.mulf %get3A_753, %unpack3A_758 : vector<16xf32>
      %add3A_761 = arith.addf %add3A_655, %mul3A_760 : vector<16xf32>
      %mul3A_762 = arith.mulf %get3A_753, %unpack3A_759 : vector<16xf32>
      %add3A_763 = arith.addf %add3A_657, %mul3A_762 : vector<16xf32>
      %add3A_764 = arith.constant 6 : i32
      %add3A_765 = arith.addi %mul3A_120, %add3A_764 : i32
      %get3A_766 = arith.index_cast %add3A_765 : i32 to index
      %get3A_767 = arith.constant 0 : index
      %get3A_768 = tpu.vector_load %arg8[%get3A_766, %get3A_767] {strides = array<i32>} : memref<200x128xf32, #tpu.memory_space<vmem>>, vector<16xf32>,
      %get3A_769 = arith.index_cast %add3A_765 : i32 to index
      %get3A_770 = arith.constant 0 : index
      %get3A_771 = tpu.vector_load %arg9[%get3A_769, %get3A_770] {strides = array<i32>} : memref<200x128xi32, #tpu.memory_space<vmem>>, vector<16xi32>,
      %bitcast3A_772 = vector.bitcast %get3A_771 : vector<16xi32> to vector<32xbf16>
      %unpack3A_773 = tpu.unpack_subelements %bitcast3A_772, 0 {pack_format = #tpu.pack_format<interleaved>} : vector<32xbf16> -> vector<16xf32>
      %unpack3A_774 = tpu.unpack_subelements %bitcast3A_772, 1 {pack_format = #tpu.pack_format<interleaved>} : vector<32xbf16> -> vector<16xf32>
      %mul3A_775 = arith.mulf %get3A_768, %unpack3A_773 : vector<16xf32>
      %add3A_776 = arith.addf %add3A_670, %mul3A_775 : vector<16xf32>
      %mul3A_777 = arith.mulf %get3A_768, %unpack3A_774 : vector<16xf32>
      %add3A_778 = arith.addf %add3A_672, %mul3A_777 : vector<16xf32>
      %get3A_779 = arith.index_cast %add3A_765 : i32 to index
      %get3A_780 = arith.constant 16 : index
      %get3A_781 = tpu.vector_load %arg8[%get3A_779, %get3A_780] {strides = array<i32>} : memref<200x128xf32, #tpu.memory_space<vmem>>, vector<16xf32>,
      %get3A_782 = arith.index_cast %add3A_765 : i32 to index
      %get3A_783 = arith.constant 16 : index
      %get3A_784 = tpu.vector_load %arg9[%get3A_782, %get3A_783] {strides = array<i32>} : memref<200x128xi32, #tpu.memory_space<vmem>>, vector<16xi32>,
      %bitcast3A_785 = vector.bitcast %get3A_784 : vector<16xi32> to vector<32xbf16>
      %unpack3A_786 = tpu.unpack_subelements %bitcast3A_785, 0 {pack_format = #tpu.pack_format<interleaved>} : vector<32xbf16> -> vector<16xf32>
      %unpack3A_787 = tpu.unpack_subelements %bitcast3A_785, 1 {pack_format = #tpu.pack_format<interleaved>} : vector<32xbf16> -> vector<16xf32>
      %mul3A_788 = arith.mulf %get3A_781, %unpack3A_786 : vector<16xf32>
      %add3A_789 = arith.addf %add3A_683, %mul3A_788 : vector<16xf32>
      %mul3A_790 = arith.mulf %get3A_781, %unpack3A_787 : vector<16xf32>
      %add3A_791 = arith.addf %add3A_685, %mul3A_790 : vector<16xf32>
      %get3A_792 = arith.index_cast %add3A_765 : i32 to index
      %get3A_793 = arith.constant 32 : index
      %get3A_794 = tpu.vector_load %arg8[%get3A_792, %get3A_793] {strides = array<i32>} : memref<200x128xf32, #tpu.memory_space<vmem>>, vector<16xf32>,
      %get3A_795 = arith.index_cast %add3A_765 : i32 to index
      %get3A_796 = arith.constant 32 : index
      %get3A_797 = tpu.vector_load %arg9[%get3A_795, %get3A_796] {strides = array<i32>} : memref<200x128xi32, #tpu.memory_space<vmem>>, vector<16xi32>,
      %bitcast3A_798 = vector.bitcast %get3A_797 : vector<16xi32> to vector<32xbf16>
      %unpack3A_799 = tpu.unpack_subelements %bitcast3A_798, 0 {pack_format = #tpu.pack_format<interleaved>} : vector<32xbf16> -> vector<16xf32>
      %unpack3A_800 = tpu.unpack_subelements %bitcast3A_798, 1 {pack_format = #tpu.pack_format<interleaved>} : vector<32xbf16> -> vector<16xf32>
      %mul3A_801 = arith.mulf %get3A_794, %unpack3A_799 : vector<16xf32>
      %add3A_802 = arith.addf %add3A_696, %mul3A_801 : vector<16xf32>
      %mul3A_803 = arith.mulf %get3A_794, %unpack3A_800 : vector<16xf32>
      %add3A_804 = arith.addf %add3A_698, %mul3A_803 : vector<16xf32>
      %get3A_805 = arith.index_cast %add3A_765 : i32 to index
      %get3A_806 = arith.constant 48 : index
      %get3A_807 = tpu.vector_load %arg8[%get3A_805, %get3A_806] {strides = array<i32>} : memref<200x128xf32, #tpu.memory_space<vmem>>, vector<16xf32>,
      %get3A_808 = arith.index_cast %add3A_765 : i32 to index
      %get3A_809 = arith.constant 48 : index
      %get3A_810 = tpu.vector_load %arg9[%get3A_808, %get3A_809] {strides = array<i32>} : memref<200x128xi32, #tpu.memory_space<vmem>>, vector<16xi32>,
      %bitcast3A_811 = vector.bitcast %get3A_810 : vector<16xi32> to vector<32xbf16>
      %unpack3A_812 = tpu.unpack_subelements %bitcast3A_811, 0 {pack_format = #tpu.pack_format<interleaved>} : vector<32xbf16> -> vector<16xf32>
      %unpack3A_813 = tpu.unpack_subelements %bitcast3A_811, 1 {pack_format = #tpu.pack_format<interleaved>} : vector<32xbf16> -> vector<16xf32>
      %mul3A_814 = arith.mulf %get3A_807, %unpack3A_812 : vector<16xf32>
      %add3A_815 = arith.addf %add3A_709, %mul3A_814 : vector<16xf32>
      %mul3A_816 = arith.mulf %get3A_807, %unpack3A_813 : vector<16xf32>
      %add3A_817 = arith.addf %add3A_711, %mul3A_816 : vector<16xf32>
      %get3A_818 = arith.index_cast %add3A_765 : i32 to index
      %get3A_819 = arith.constant 64 : index
      %get3A_820 = tpu.vector_load %arg8[%get3A_818, %get3A_819] {strides = array<i32>} : memref<200x128xf32, #tpu.memory_space<vmem>>, vector<16xf32>,
      %get3A_821 = arith.index_cast %add3A_765 : i32 to index
      %get3A_822 = arith.constant 64 : index
      %get3A_823 = tpu.vector_load %arg9[%get3A_821, %get3A_822] {strides = array<i32>} : memref<200x128xi32, #tpu.memory_space<vmem>>, vector<16xi32>,
      %bitcast3A_824 = vector.bitcast %get3A_823 : vector<16xi32> to vector<32xbf16>
      %unpack3A_825 = tpu.unpack_subelements %bitcast3A_824, 0 {pack_format = #tpu.pack_format<interleaved>} : vector<32xbf16> -> vector<16xf32>
      %unpack3A_826 = tpu.unpack_subelements %bitcast3A_824, 1 {pack_format = #tpu.pack_format<interleaved>} : vector<32xbf16> -> vector<16xf32>
      %mul3A_827 = arith.mulf %get3A_820, %unpack3A_825 : vector<16xf32>
      %add3A_828 = arith.addf %add3A_722, %mul3A_827 : vector<16xf32>
      %mul3A_829 = arith.mulf %get3A_820, %unpack3A_826 : vector<16xf32>
      %add3A_830 = arith.addf %add3A_724, %mul3A_829 : vector<16xf32>
      %get3A_831 = arith.index_cast %add3A_765 : i32 to index
      %get3A_832 = arith.constant 80 : index
      %get3A_833 = tpu.vector_load %arg8[%get3A_831, %get3A_832] {strides = array<i32>} : memref<200x128xf32, #tpu.memory_space<vmem>>, vector<16xf32>,
      %get3A_834 = arith.index_cast %add3A_765 : i32 to index
      %get3A_835 = arith.constant 80 : index
      %get3A_836 = tpu.vector_load %arg9[%get3A_834, %get3A_835] {strides = array<i32>} : memref<200x128xi32, #tpu.memory_space<vmem>>, vector<16xi32>,
      %bitcast3A_837 = vector.bitcast %get3A_836 : vector<16xi32> to vector<32xbf16>
      %unpack3A_838 = tpu.unpack_subelements %bitcast3A_837, 0 {pack_format = #tpu.pack_format<interleaved>} : vector<32xbf16> -> vector<16xf32>
      %unpack3A_839 = tpu.unpack_subelements %bitcast3A_837, 1 {pack_format = #tpu.pack_format<interleaved>} : vector<32xbf16> -> vector<16xf32>
      %mul3A_840 = arith.mulf %get3A_833, %unpack3A_838 : vector<16xf32>
      %add3A_841 = arith.addf %add3A_735, %mul3A_840 : vector<16xf32>
      %mul3A_842 = arith.mulf %get3A_833, %unpack3A_839 : vector<16xf32>
      %add3A_843 = arith.addf %add3A_737, %mul3A_842 : vector<16xf32>
      %get3A_844 = arith.index_cast %add3A_765 : i32 to index
      %get3A_845 = arith.constant 96 : index
      %get3A_846 = tpu.vector_load %arg8[%get3A_844, %get3A_845] {strides = array<i32>} : memref<200x128xf32, #tpu.memory_space<vmem>>, vector<16xf32>,
      %get3A_847 = arith.index_cast %add3A_765 : i32 to index
      %get3A_848 = arith.constant 96 : index
      %get3A_849 = tpu.vector_load %arg9[%get3A_847, %get3A_848] {strides = array<i32>} : memref<200x128xi32, #tpu.memory_space<vmem>>, vector<16xi32>,
      %bitcast3A_850 = vector.bitcast %get3A_849 : vector<16xi32> to vector<32xbf16>
      %unpack3A_851 = tpu.unpack_subelements %bitcast3A_850, 0 {pack_format = #tpu.pack_format<interleaved>} : vector<32xbf16> -> vector<16xf32>
      %unpack3A_852 = tpu.unpack_subelements %bitcast3A_850, 1 {pack_format = #tpu.pack_format<interleaved>} : vector<32xbf16> -> vector<16xf32>
      %mul3A_853 = arith.mulf %get3A_846, %unpack3A_851 : vector<16xf32>
      %add3A_854 = arith.addf %add3A_748, %mul3A_853 : vector<16xf32>
      %mul3A_855 = arith.mulf %get3A_846, %unpack3A_852 : vector<16xf32>
      %add3A_856 = arith.addf %add3A_750, %mul3A_855 : vector<16xf32>
      %get3A_857 = arith.index_cast %add3A_765 : i32 to index
      %get3A_858 = arith.constant 112 : index
      %get3A_859 = tpu.vector_load %arg8[%get3A_857, %get3A_858] {strides = array<i32>} : memref<200x128xf32, #tpu.memory_space<vmem>>, vector<16xf32>,
      %get3A_860 = arith.index_cast %add3A_765 : i32 to index
      %get3A_861 = arith.constant 112 : index
      %get3A_862 = tpu.vector_load %arg9[%get3A_860, %get3A_861] {strides = array<i32>} : memref<200x128xi32, #tpu.memory_space<vmem>>, vector<16xi32>,
      %bitcast3A_863 = vector.bitcast %get3A_862 : vector<16xi32> to vector<32xbf16>
      %unpack3A_864 = tpu.unpack_subelements %bitcast3A_863, 0 {pack_format = #tpu.pack_format<interleaved>} : vector<32xbf16> -> vector<16xf32>
      %unpack3A_865 = tpu.unpack_subelements %bitcast3A_863, 1 {pack_format = #tpu.pack_format<interleaved>} : vector<32xbf16> -> vector<16xf32>
      %mul3A_866 = arith.mulf %get3A_859, %unpack3A_864 : vector<16xf32>
      %add3A_867 = arith.addf %add3A_761, %mul3A_866 : vector<16xf32>
      %mul3A_868 = arith.mulf %get3A_859, %unpack3A_865 : vector<16xf32>
      %add3A_869 = arith.addf %add3A_763, %mul3A_868 : vector<16xf32>
      %add3A_870 = arith.constant 7 : i32
      %add3A_871 = arith.addi %mul3A_120, %add3A_870 : i32
      %get3A_872 = arith.index_cast %add3A_871 : i32 to index
      %get3A_873 = arith.constant 0 : index
      %get3A_874 = tpu.vector_load %arg8[%get3A_872, %get3A_873] {strides = array<i32>} : memref<200x128xf32, #tpu.memory_space<vmem>>, vector<16xf32>,
      %get3A_875 = arith.index_cast %add3A_871 : i32 to index
      %get3A_876 = arith.constant 0 : index
      %get3A_877 = tpu.vector_load %arg9[%get3A_875, %get3A_876] {strides = array<i32>} : memref<200x128xi32, #tpu.memory_space<vmem>>, vector<16xi32>,
      %bitcast3A_878 = vector.bitcast %get3A_877 : vector<16xi32> to vector<32xbf16>
      %unpack3A_879 = tpu.unpack_subelements %bitcast3A_878, 0 {pack_format = #tpu.pack_format<interleaved>} : vector<32xbf16> -> vector<16xf32>
      %unpack3A_880 = tpu.unpack_subelements %bitcast3A_878, 1 {pack_format = #tpu.pack_format<interleaved>} : vector<32xbf16> -> vector<16xf32>
      %mul3A_881 = arith.mulf %get3A_874, %unpack3A_879 : vector<16xf32>
      %add3A_882 = arith.addf %add3A_776, %mul3A_881 : vector<16xf32>
      %mul3A_883 = arith.mulf %get3A_874, %unpack3A_880 : vector<16xf32>
      %add3A_884 = arith.addf %add3A_778, %mul3A_883 : vector<16xf32>
      %get3A_885 = arith.index_cast %add3A_871 : i32 to index
      %get3A_886 = arith.constant 16 : index
      %get3A_887 = tpu.vector_load %arg8[%get3A_885, %get3A_886] {strides = array<i32>} : memref<200x128xf32, #tpu.memory_space<vmem>>, vector<16xf32>,
      %get3A_888 = arith.index_cast %add3A_871 : i32 to index
      %get3A_889 = arith.constant 16 : index
      %get3A_890 = tpu.vector_load %arg9[%get3A_888, %get3A_889] {strides = array<i32>} : memref<200x128xi32, #tpu.memory_space<vmem>>, vector<16xi32>,
      %bitcast3A_891 = vector.bitcast %get3A_890 : vector<16xi32> to vector<32xbf16>
      %unpack3A_892 = tpu.unpack_subelements %bitcast3A_891, 0 {pack_format = #tpu.pack_format<interleaved>} : vector<32xbf16> -> vector<16xf32>
      %unpack3A_893 = tpu.unpack_subelements %bitcast3A_891, 1 {pack_format = #tpu.pack_format<interleaved>} : vector<32xbf16> -> vector<16xf32>
      %mul3A_894 = arith.mulf %get3A_887, %unpack3A_892 : vector<16xf32>
      %add3A_895 = arith.addf %add3A_789, %mul3A_894 : vector<16xf32>
      %mul3A_896 = arith.mulf %get3A_887, %unpack3A_893 : vector<16xf32>
      %add3A_897 = arith.addf %add3A_791, %mul3A_896 : vector<16xf32>
      %get3A_898 = arith.index_cast %add3A_871 : i32 to index
      %get3A_899 = arith.constant 32 : index
      %get3A_900 = tpu.vector_load %arg8[%get3A_898, %get3A_899] {strides = array<i32>} : memref<200x128xf32, #tpu.memory_space<vmem>>, vector<16xf32>,
      %get3A_901 = arith.index_cast %add3A_871 : i32 to index
      %get3A_902 = arith.constant 32 : index
      %get3A_903 = tpu.vector_load %arg9[%get3A_901, %get3A_902] {strides = array<i32>} : memref<200x128xi32, #tpu.memory_space<vmem>>, vector<16xi32>,
      %bitcast3A_904 = vector.bitcast %get3A_903 : vector<16xi32> to vector<32xbf16>
      %unpack3A_905 = tpu.unpack_subelements %bitcast3A_904, 0 {pack_format = #tpu.pack_format<interleaved>} : vector<32xbf16> -> vector<16xf32>
      %unpack3A_906 = tpu.unpack_subelements %bitcast3A_904, 1 {pack_format = #tpu.pack_format<interleaved>} : vector<32xbf16> -> vector<16xf32>
      %mul3A_907 = arith.mulf %get3A_900, %unpack3A_905 : vector<16xf32>
      %add3A_908 = arith.addf %add3A_802, %mul3A_907 : vector<16xf32>
      %mul3A_909 = arith.mulf %get3A_900, %unpack3A_906 : vector<16xf32>
      %add3A_910 = arith.addf %add3A_804, %mul3A_909 : vector<16xf32>
      %get3A_911 = arith.index_cast %add3A_871 : i32 to index
      %get3A_912 = arith.constant 48 : index
      %get3A_913 = tpu.vector_load %arg8[%get3A_911, %get3A_912] {strides = array<i32>} : memref<200x128xf32, #tpu.memory_space<vmem>>, vector<16xf32>,
      %get3A_914 = arith.index_cast %add3A_871 : i32 to index
      %get3A_915 = arith.constant 48 : index
      %get3A_916 = tpu.vector_load %arg9[%get3A_914, %get3A_915] {strides = array<i32>} : memref<200x128xi32, #tpu.memory_space<vmem>>, vector<16xi32>,
      %bitcast3A_917 = vector.bitcast %get3A_916 : vector<16xi32> to vector<32xbf16>
      %unpack3A_918 = tpu.unpack_subelements %bitcast3A_917, 0 {pack_format = #tpu.pack_format<interleaved>} : vector<32xbf16> -> vector<16xf32>
      %unpack3A_919 = tpu.unpack_subelements %bitcast3A_917, 1 {pack_format = #tpu.pack_format<interleaved>} : vector<32xbf16> -> vector<16xf32>
      %mul3A_920 = arith.mulf %get3A_913, %unpack3A_918 : vector<16xf32>
      %add3A_921 = arith.addf %add3A_815, %mul3A_920 : vector<16xf32>
      %mul3A_922 = arith.mulf %get3A_913, %unpack3A_919 : vector<16xf32>
      %add3A_923 = arith.addf %add3A_817, %mul3A_922 : vector<16xf32>
      %get3A_924 = arith.index_cast %add3A_871 : i32 to index
      %get3A_925 = arith.constant 64 : index
      %get3A_926 = tpu.vector_load %arg8[%get3A_924, %get3A_925] {strides = array<i32>} : memref<200x128xf32, #tpu.memory_space<vmem>>, vector<16xf32>,
      %get3A_927 = arith.index_cast %add3A_871 : i32 to index
      %get3A_928 = arith.constant 64 : index
      %get3A_929 = tpu.vector_load %arg9[%get3A_927, %get3A_928] {strides = array<i32>} : memref<200x128xi32, #tpu.memory_space<vmem>>, vector<16xi32>,
      %bitcast3A_930 = vector.bitcast %get3A_929 : vector<16xi32> to vector<32xbf16>
      %unpack3A_931 = tpu.unpack_subelements %bitcast3A_930, 0 {pack_format = #tpu.pack_format<interleaved>} : vector<32xbf16> -> vector<16xf32>
      %unpack3A_932 = tpu.unpack_subelements %bitcast3A_930, 1 {pack_format = #tpu.pack_format<interleaved>} : vector<32xbf16> -> vector<16xf32>
      %mul3A_933 = arith.mulf %get3A_926, %unpack3A_931 : vector<16xf32>
      %add3A_934 = arith.addf %add3A_828, %mul3A_933 : vector<16xf32>
      %mul3A_935 = arith.mulf %get3A_926, %unpack3A_932 : vector<16xf32>
      %add3A_936 = arith.addf %add3A_830, %mul3A_935 : vector<16xf32>
      %get3A_937 = arith.index_cast %add3A_871 : i32 to index
      %get3A_938 = arith.constant 80 : index
      %get3A_939 = tpu.vector_load %arg8[%get3A_937, %get3A_938] {strides = array<i32>} : memref<200x128xf32, #tpu.memory_space<vmem>>, vector<16xf32>,
      %get3A_940 = arith.index_cast %add3A_871 : i32 to index
      %get3A_941 = arith.constant 80 : index
      %get3A_942 = tpu.vector_load %arg9[%get3A_940, %get3A_941] {strides = array<i32>} : memref<200x128xi32, #tpu.memory_space<vmem>>, vector<16xi32>,
      %bitcast3A_943 = vector.bitcast %get3A_942 : vector<16xi32> to vector<32xbf16>
      %unpack3A_944 = tpu.unpack_subelements %bitcast3A_943, 0 {pack_format = #tpu.pack_format<interleaved>} : vector<32xbf16> -> vector<16xf32>
      %unpack3A_945 = tpu.unpack_subelements %bitcast3A_943, 1 {pack_format = #tpu.pack_format<interleaved>} : vector<32xbf16> -> vector<16xf32>
      %mul3A_946 = arith.mulf %get3A_939, %unpack3A_944 : vector<16xf32>
      %add3A_947 = arith.addf %add3A_841, %mul3A_946 : vector<16xf32>
      %mul3A_948 = arith.mulf %get3A_939, %unpack3A_945 : vector<16xf32>
      %add3A_949 = arith.addf %add3A_843, %mul3A_948 : vector<16xf32>
      %get3A_950 = arith.index_cast %add3A_871 : i32 to index
      %get3A_951 = arith.constant 96 : index
      %get3A_952 = tpu.vector_load %arg8[%get3A_950, %get3A_951] {strides = array<i32>} : memref<200x128xf32, #tpu.memory_space<vmem>>, vector<16xf32>,
      %get3A_953 = arith.index_cast %add3A_871 : i32 to index
      %get3A_954 = arith.constant 96 : index
      %get3A_955 = tpu.vector_load %arg9[%get3A_953, %get3A_954] {strides = array<i32>} : memref<200x128xi32, #tpu.memory_space<vmem>>, vector<16xi32>,
      %bitcast3A_956 = vector.bitcast %get3A_955 : vector<16xi32> to vector<32xbf16>
      %unpack3A_957 = tpu.unpack_subelements %bitcast3A_956, 0 {pack_format = #tpu.pack_format<interleaved>} : vector<32xbf16> -> vector<16xf32>
      %unpack3A_958 = tpu.unpack_subelements %bitcast3A_956, 1 {pack_format = #tpu.pack_format<interleaved>} : vector<32xbf16> -> vector<16xf32>
      %mul3A_959 = arith.mulf %get3A_952, %unpack3A_957 : vector<16xf32>
      %add3A_960 = arith.addf %add3A_854, %mul3A_959 : vector<16xf32>
      %mul3A_961 = arith.mulf %get3A_952, %unpack3A_958 : vector<16xf32>
      %add3A_962 = arith.addf %add3A_856, %mul3A_961 : vector<16xf32>
      %get3A_963 = arith.index_cast %add3A_871 : i32 to index
      %get3A_964 = arith.constant 112 : index
      %get3A_965 = tpu.vector_load %arg8[%get3A_963, %get3A_964] {strides = array<i32>} : memref<200x128xf32, #tpu.memory_space<vmem>>, vector<16xf32>,
      %get3A_966 = arith.index_cast %add3A_871 : i32 to index
      %get3A_967 = arith.constant 112 : index
      %get3A_968 = tpu.vector_load %arg9[%get3A_966, %get3A_967] {strides = array<i32>} : memref<200x128xi32, #tpu.memory_space<vmem>>, vector<16xi32>,
      %bitcast3A_969 = vector.bitcast %get3A_968 : vector<16xi32> to vector<32xbf16>
      %unpack3A_970 = tpu.unpack_subelements %bitcast3A_969, 0 {pack_format = #tpu.pack_format<interleaved>} : vector<32xbf16> -> vector<16xf32>
      %unpack3A_971 = tpu.unpack_subelements %bitcast3A_969, 1 {pack_format = #tpu.pack_format<interleaved>} : vector<32xbf16> -> vector<16xf32>
      %mul3A_972 = arith.mulf %get3A_965, %unpack3A_970 : vector<16xf32>
      %add3A_973 = arith.addf %add3A_867, %mul3A_972 : vector<16xf32>
      %mul3A_974 = arith.mulf %get3A_965, %unpack3A_971 : vector<16xf32>
      %add3A_975 = arith.addf %add3A_869, %mul3A_974 : vector<16xf32>
      %add3A_976 = arith.constant 8 : i32
      %add3A_977 = arith.addi %mul3A_120, %add3A_976 : i32
      %get3A_978 = arith.index_cast %add3A_977 : i32 to index
      %get3A_979 = arith.constant 0 : index
      %get3A_980 = tpu.vector_load %arg8[%get3A_978, %get3A_979] {strides = array<i32>} : memref<200x128xf32, #tpu.memory_space<vmem>>, vector<16xf32>,
      %get3A_981 = arith.index_cast %add3A_977 : i32 to index
      %get3A_982 = arith.constant 0 : index
      %get3A_983 = tpu.vector_load %arg9[%get3A_981, %get3A_982] {strides = array<i32>} : memref<200x128xi32, #tpu.memory_space<vmem>>, vector<16xi32>,
      %bitcast3A_984 = vector.bitcast %get3A_983 : vector<16xi32> to vector<32xbf16>
      %unpack3A_985 = tpu.unpack_subelements %bitcast3A_984, 0 {pack_format = #tpu.pack_format<interleaved>} : vector<32xbf16> -> vector<16xf32>
      %unpack3A_986 = tpu.unpack_subelements %bitcast3A_984, 1 {pack_format = #tpu.pack_format<interleaved>} : vector<32xbf16> -> vector<16xf32>
      %mul3A_987 = arith.mulf %get3A_980, %unpack3A_985 : vector<16xf32>
      %add3A_988 = arith.addf %add3A_882, %mul3A_987 : vector<16xf32>
      %mul3A_989 = arith.mulf %get3A_980, %unpack3A_986 : vector<16xf32>
      %add3A_990 = arith.addf %add3A_884, %mul3A_989 : vector<16xf32>
      %get3A_991 = arith.index_cast %add3A_977 : i32 to index
      %get3A_992 = arith.constant 16 : index
      %get3A_993 = tpu.vector_load %arg8[%get3A_991, %get3A_992] {strides = array<i32>} : memref<200x128xf32, #tpu.memory_space<vmem>>, vector<16xf32>,
      %get3A_994 = arith.index_cast %add3A_977 : i32 to index
      %get3A_995 = arith.constant 16 : index
      %get3A_996 = tpu.vector_load %arg9[%get3A_994, %get3A_995] {strides = array<i32>} : memref<200x128xi32, #tpu.memory_space<vmem>>, vector<16xi32>,
      %bitcast3A_997 = vector.bitcast %get3A_996 : vector<16xi32> to vector<32xbf16>
      %unpack3A_998 = tpu.unpack_subelements %bitcast3A_997, 0 {pack_format = #tpu.pack_format<interleaved>} : vector<32xbf16> -> vector<16xf32>
      %unpack3A_999 = tpu.unpack_subelements %bitcast3A_997, 1 {pack_format = #tpu.pack_format<interleaved>} : vector<32xbf16> -> vector<16xf32>
      %mul3A_1000 = arith.mulf %get3A_993, %unpack3A_998 : vector<16xf32>
      %add3A_1001 = arith.addf %add3A_895, %mul3A_1000 : vector<16xf32>
      %mul3A_1002 = arith.mulf %get3A_993, %unpack3A_999 : vector<16xf32>
      %add3A_1003 = arith.addf %add3A_897, %mul3A_1002 : vector<16xf32>
      %get3A_1004 = arith.index_cast %add3A_977 : i32 to index
      %get3A_1005 = arith.constant 32 : index
      %get3A_1006 = tpu.vector_load %arg8[%get3A_1004, %get3A_1005] {strides = array<i32>} : memref<200x128xf32, #tpu.memory_space<vmem>>, vector<16xf32>,
      %get3A_1007 = arith.index_cast %add3A_977 : i32 to index
      %get3A_1008 = arith.constant 32 : index
      %get3A_1009 = tpu.vector_load %arg9[%get3A_1007, %get3A_1008] {strides = array<i32>} : memref<200x128xi32, #tpu.memory_space<vmem>>, vector<16xi32>,
      %bitcast3A_1010 = vector.bitcast %get3A_1009 : vector<16xi32> to vector<32xbf16>
      %unpack3A_1011 = tpu.unpack_subelements %bitcast3A_1010, 0 {pack_format = #tpu.pack_format<interleaved>} : vector<32xbf16> -> vector<16xf32>
      %unpack3A_1012 = tpu.unpack_subelements %bitcast3A_1010, 1 {pack_format = #tpu.pack_format<interleaved>} : vector<32xbf16> -> vector<16xf32>
      %mul3A_1013 = arith.mulf %get3A_1006, %unpack3A_1011 : vector<16xf32>
      %add3A_1014 = arith.addf %add3A_908, %mul3A_1013 : vector<16xf32>
      %mul3A_1015 = arith.mulf %get3A_1006, %unpack3A_1012 : vector<16xf32>
      %add3A_1016 = arith.addf %add3A_910, %mul3A_1015 : vector<16xf32>
      %get3A_1017 = arith.index_cast %add3A_977 : i32 to index
      %get3A_1018 = arith.constant 48 : index
      %get3A_1019 = tpu.vector_load %arg8[%get3A_1017, %get3A_1018] {strides = array<i32>} : memref<200x128xf32, #tpu.memory_space<vmem>>, vector<16xf32>,
      %get3A_1020 = arith.index_cast %add3A_977 : i32 to index
      %get3A_1021 = arith.constant 48 : index
      %get3A_1022 = tpu.vector_load %arg9[%get3A_1020, %get3A_1021] {strides = array<i32>} : memref<200x128xi32, #tpu.memory_space<vmem>>, vector<16xi32>,
      %bitcast3A_1023 = vector.bitcast %get3A_1022 : vector<16xi32> to vector<32xbf16>
      %unpack3A_1024 = tpu.unpack_subelements %bitcast3A_1023, 0 {pack_format = #tpu.pack_format<interleaved>} : vector<32xbf16> -> vector<16xf32>
      %unpack3A_1025 = tpu.unpack_subelements %bitcast3A_1023, 1 {pack_format = #tpu.pack_format<interleaved>} : vector<32xbf16> -> vector<16xf32>
      %mul3A_1026 = arith.mulf %get3A_1019, %unpack3A_1024 : vector<16xf32>
      %add3A_1027 = arith.addf %add3A_921, %mul3A_1026 : vector<16xf32>
      %mul3A_1028 = arith.mulf %get3A_1019, %unpack3A_1025 : vector<16xf32>
      %add3A_1029 = arith.addf %add3A_923, %mul3A_1028 : vector<16xf32>
      %get3A_1030 = arith.index_cast %add3A_977 : i32 to index
      %get3A_1031 = arith.constant 64 : index
      %get3A_1032 = tpu.vector_load %arg8[%get3A_1030, %get3A_1031] {strides = array<i32>} : memref<200x128xf32, #tpu.memory_space<vmem>>, vector<16xf32>,
      %get3A_1033 = arith.index_cast %add3A_977 : i32 to index
      %get3A_1034 = arith.constant 64 : index
      %get3A_1035 = tpu.vector_load %arg9[%get3A_1033, %get3A_1034] {strides = array<i32>} : memref<200x128xi32, #tpu.memory_space<vmem>>, vector<16xi32>,
      %bitcast3A_1036 = vector.bitcast %get3A_1035 : vector<16xi32> to vector<32xbf16>
      %unpack3A_1037 = tpu.unpack_subelements %bitcast3A_1036, 0 {pack_format = #tpu.pack_format<interleaved>} : vector<32xbf16> -> vector<16xf32>
      %unpack3A_1038 = tpu.unpack_subelements %bitcast3A_1036, 1 {pack_format = #tpu.pack_format<interleaved>} : vector<32xbf16> -> vector<16xf32>
      %mul3A_1039 = arith.mulf %get3A_1032, %unpack3A_1037 : vector<16xf32>
      %add3A_1040 = arith.addf %add3A_934, %mul3A_1039 : vector<16xf32>
      %mul3A_1041 = arith.mulf %get3A_1032, %unpack3A_1038 : vector<16xf32>
      %add3A_1042 = arith.addf %add3A_936, %mul3A_1041 : vector<16xf32>
      %get3A_1043 = arith.index_cast %add3A_977 : i32 to index
      %get3A_1044 = arith.constant 80 : index
      %get3A_1045 = tpu.vector_load %arg8[%get3A_1043, %get3A_1044] {strides = array<i32>} : memref<200x128xf32, #tpu.memory_space<vmem>>, vector<16xf32>,
      %get3A_1046 = arith.index_cast %add3A_977 : i32 to index
      %get3A_1047 = arith.constant 80 : index
      %get3A_1048 = tpu.vector_load %arg9[%get3A_1046, %get3A_1047] {strides = array<i32>} : memref<200x128xi32, #tpu.memory_space<vmem>>, vector<16xi32>,
      %bitcast3A_1049 = vector.bitcast %get3A_1048 : vector<16xi32> to vector<32xbf16>
      %unpack3A_1050 = tpu.unpack_subelements %bitcast3A_1049, 0 {pack_format = #tpu.pack_format<interleaved>} : vector<32xbf16> -> vector<16xf32>
      %unpack3A_1051 = tpu.unpack_subelements %bitcast3A_1049, 1 {pack_format = #tpu.pack_format<interleaved>} : vector<32xbf16> -> vector<16xf32>
      %mul3A_1052 = arith.mulf %get3A_1045, %unpack3A_1050 : vector<16xf32>
      %add3A_1053 = arith.addf %add3A_947, %mul3A_1052 : vector<16xf32>
      %mul3A_1054 = arith.mulf %get3A_1045, %unpack3A_1051 : vector<16xf32>
      %add3A_1055 = arith.addf %add3A_949, %mul3A_1054 : vector<16xf32>
      %get3A_1056 = arith.index_cast %add3A_977 : i32 to index
      %get3A_1057 = arith.constant 96 : index
      %get3A_1058 = tpu.vector_load %arg8[%get3A_1056, %get3A_1057] {strides = array<i32>} : memref<200x128xf32, #tpu.memory_space<vmem>>, vector<16xf32>,
      %get3A_1059 = arith.index_cast %add3A_977 : i32 to index
      %get3A_1060 = arith.constant 96 : index
      %get3A_1061 = tpu.vector_load %arg9[%get3A_1059, %get3A_1060] {strides = array<i32>} : memref<200x128xi32, #tpu.memory_space<vmem>>, vector<16xi32>,
      %bitcast3A_1062 = vector.bitcast %get3A_1061 : vector<16xi32> to vector<32xbf16>
      %unpack3A_1063 = tpu.unpack_subelements %bitcast3A_1062, 0 {pack_format = #tpu.pack_format<interleaved>} : vector<32xbf16> -> vector<16xf32>
      %unpack3A_1064 = tpu.unpack_subelements %bitcast3A_1062, 1 {pack_format = #tpu.pack_format<interleaved>} : vector<32xbf16> -> vector<16xf32>
      %mul3A_1065 = arith.mulf %get3A_1058, %unpack3A_1063 : vector<16xf32>
      %add3A_1066 = arith.addf %add3A_960, %mul3A_1065 : vector<16xf32>
      %mul3A_1067 = arith.mulf %get3A_1058, %unpack3A_1064 : vector<16xf32>
      %add3A_1068 = arith.addf %add3A_962, %mul3A_1067 : vector<16xf32>
      %get3A_1069 = arith.index_cast %add3A_977 : i32 to index
      %get3A_1070 = arith.constant 112 : index
      %get3A_1071 = tpu.vector_load %arg8[%get3A_1069, %get3A_1070] {strides = array<i32>} : memref<200x128xf32, #tpu.memory_space<vmem>>, vector<16xf32>,
      %get3A_1072 = arith.index_cast %add3A_977 : i32 to index
      %get3A_1073 = arith.constant 112 : index
      %get3A_1074 = tpu.vector_load %arg9[%get3A_1072, %get3A_1073] {strides = array<i32>} : memref<200x128xi32, #tpu.memory_space<vmem>>, vector<16xi32>,
      %bitcast3A_1075 = vector.bitcast %get3A_1074 : vector<16xi32> to vector<32xbf16>
      %unpack3A_1076 = tpu.unpack_subelements %bitcast3A_1075, 0 {pack_format = #tpu.pack_format<interleaved>} : vector<32xbf16> -> vector<16xf32>
      %unpack3A_1077 = tpu.unpack_subelements %bitcast3A_1075, 1 {pack_format = #tpu.pack_format<interleaved>} : vector<32xbf16> -> vector<16xf32>
      %mul3A_1078 = arith.mulf %get3A_1071, %unpack3A_1076 : vector<16xf32>
      %add3A_1079 = arith.addf %add3A_973, %mul3A_1078 : vector<16xf32>
      %mul3A_1080 = arith.mulf %get3A_1071, %unpack3A_1077 : vector<16xf32>
      %add3A_1081 = arith.addf %add3A_975, %mul3A_1080 : vector<16xf32>
      %add3A_1082 = arith.constant 9 : i32
      %add3A_1083 = arith.addi %mul3A_120, %add3A_1082 : i32
      %get3A_1084 = arith.index_cast %add3A_1083 : i32 to index
      %get3A_1085 = arith.constant 0 : index
      %get3A_1086 = tpu.vector_load %arg8[%get3A_1084, %get3A_1085] {strides = array<i32>} : memref<200x128xf32, #tpu.memory_space<vmem>>, vector<16xf32>,
      %get3A_1087 = arith.index_cast %add3A_1083 : i32 to index
      %get3A_1088 = arith.constant 0 : index
      %get3A_1089 = tpu.vector_load %arg9[%get3A_1087, %get3A_1088] {strides = array<i32>} : memref<200x128xi32, #tpu.memory_space<vmem>>, vector<16xi32>,
      %bitcast3A_1090 = vector.bitcast %get3A_1089 : vector<16xi32> to vector<32xbf16>
      %unpack3A_1091 = tpu.unpack_subelements %bitcast3A_1090, 0 {pack_format = #tpu.pack_format<interleaved>} : vector<32xbf16> -> vector<16xf32>
      %unpack3A_1092 = tpu.unpack_subelements %bitcast3A_1090, 1 {pack_format = #tpu.pack_format<interleaved>} : vector<32xbf16> -> vector<16xf32>
      %mul3A_1093 = arith.mulf %get3A_1086, %unpack3A_1091 : vector<16xf32>
      %add3A_1094 = arith.addf %add3A_988, %mul3A_1093 : vector<16xf32>
      %mul3A_1095 = arith.mulf %get3A_1086, %unpack3A_1092 : vector<16xf32>
      %add3A_1096 = arith.addf %add3A_990, %mul3A_1095 : vector<16xf32>
      %get3A_1097 = arith.index_cast %add3A_1083 : i32 to index
      %get3A_1098 = arith.constant 16 : index
      %get3A_1099 = tpu.vector_load %arg8[%get3A_1097, %get3A_1098] {strides = array<i32>} : memref<200x128xf32, #tpu.memory_space<vmem>>, vector<16xf32>,
      %get3A_1100 = arith.index_cast %add3A_1083 : i32 to index
      %get3A_1101 = arith.constant 16 : index
      %get3A_1102 = tpu.vector_load %arg9[%get3A_1100, %get3A_1101] {strides = array<i32>} : memref<200x128xi32, #tpu.memory_space<vmem>>, vector<16xi32>,
      %bitcast3A_1103 = vector.bitcast %get3A_1102 : vector<16xi32> to vector<32xbf16>
      %unpack3A_1104 = tpu.unpack_subelements %bitcast3A_1103, 0 {pack_format = #tpu.pack_format<interleaved>} : vector<32xbf16> -> vector<16xf32>
      %unpack3A_1105 = tpu.unpack_subelements %bitcast3A_1103, 1 {pack_format = #tpu.pack_format<interleaved>} : vector<32xbf16> -> vector<16xf32>
      %mul3A_1106 = arith.mulf %get3A_1099, %unpack3A_1104 : vector<16xf32>
      %add3A_1107 = arith.addf %add3A_1001, %mul3A_1106 : vector<16xf32>
      %mul3A_1108 = arith.mulf %get3A_1099, %unpack3A_1105 : vector<16xf32>
      %add3A_1109 = arith.addf %add3A_1003, %mul3A_1108 : vector<16xf32>
      %get3A_1110 = arith.index_cast %add3A_1083 : i32 to index
      %get3A_1111 = arith.constant 32 : index
      %get3A_1112 = tpu.vector_load %arg8[%get3A_1110, %get3A_1111] {strides = array<i32>} : memref<200x128xf32, #tpu.memory_space<vmem>>, vector<16xf32>,
      %get3A_1113 = arith.index_cast %add3A_1083 : i32 to index
      %get3A_1114 = arith.constant 32 : index
      %get3A_1115 = tpu.vector_load %arg9[%get3A_1113, %get3A_1114] {strides = array<i32>} : memref<200x128xi32, #tpu.memory_space<vmem>>, vector<16xi32>,
      %bitcast3A_1116 = vector.bitcast %get3A_1115 : vector<16xi32> to vector<32xbf16>
      %unpack3A_1117 = tpu.unpack_subelements %bitcast3A_1116, 0 {pack_format = #tpu.pack_format<interleaved>} : vector<32xbf16> -> vector<16xf32>
      %unpack3A_1118 = tpu.unpack_subelements %bitcast3A_1116, 1 {pack_format = #tpu.pack_format<interleaved>} : vector<32xbf16> -> vector<16xf32>
      %mul3A_1119 = arith.mulf %get3A_1112, %unpack3A_1117 : vector<16xf32>
      %add3A_1120 = arith.addf %add3A_1014, %mul3A_1119 : vector<16xf32>
      %mul3A_1121 = arith.mulf %get3A_1112, %unpack3A_1118 : vector<16xf32>
      %add3A_1122 = arith.addf %add3A_1016, %mul3A_1121 : vector<16xf32>
      %get3A_1123 = arith.index_cast %add3A_1083 : i32 to index
      %get3A_1124 = arith.constant 48 : index
      %get3A_1125 = tpu.vector_load %arg8[%get3A_1123, %get3A_1124] {strides = array<i32>} : memref<200x128xf32, #tpu.memory_space<vmem>>, vector<16xf32>,
      %get3A_1126 = arith.index_cast %add3A_1083 : i32 to index
      %get3A_1127 = arith.constant 48 : index
      %get3A_1128 = tpu.vector_load %arg9[%get3A_1126, %get3A_1127] {strides = array<i32>} : memref<200x128xi32, #tpu.memory_space<vmem>>, vector<16xi32>,
      %bitcast3A_1129 = vector.bitcast %get3A_1128 : vector<16xi32> to vector<32xbf16>
      %unpack3A_1130 = tpu.unpack_subelements %bitcast3A_1129, 0 {pack_format = #tpu.pack_format<interleaved>} : vector<32xbf16> -> vector<16xf32>
      %unpack3A_1131 = tpu.unpack_subelements %bitcast3A_1129, 1 {pack_format = #tpu.pack_format<interleaved>} : vector<32xbf16> -> vector<16xf32>
      %mul3A_1132 = arith.mulf %get3A_1125, %unpack3A_1130 : vector<16xf32>
      %add3A_1133 = arith.addf %add3A_1027, %mul3A_1132 : vector<16xf32>
      %mul3A_1134 = arith.mulf %get3A_1125, %unpack3A_1131 : vector<16xf32>
      %add3A_1135 = arith.addf %add3A_1029, %mul3A_1134 : vector<16xf32>
      %get3A_1136 = arith.index_cast %add3A_1083 : i32 to index
      %get3A_1137 = arith.constant 64 : index
      %get3A_1138 = tpu.vector_load %arg8[%get3A_1136, %get3A_1137] {strides = array<i32>} : memref<200x128xf32, #tpu.memory_space<vmem>>, vector<16xf32>,
      %get3A_1139 = arith.index_cast %add3A_1083 : i32 to index
      %get3A_1140 = arith.constant 64 : index
      %get3A_1141 = tpu.vector_load %arg9[%get3A_1139, %get3A_1140] {strides = array<i32>} : memref<200x128xi32, #tpu.memory_space<vmem>>, vector<16xi32>,
      %bitcast3A_1142 = vector.bitcast %get3A_1141 : vector<16xi32> to vector<32xbf16>
      %unpack3A_1143 = tpu.unpack_subelements %bitcast3A_1142, 0 {pack_format = #tpu.pack_format<interleaved>} : vector<32xbf16> -> vector<16xf32>
      %unpack3A_1144 = tpu.unpack_subelements %bitcast3A_1142, 1 {pack_format = #tpu.pack_format<interleaved>} : vector<32xbf16> -> vector<16xf32>
      %mul3A_1145 = arith.mulf %get3A_1138, %unpack3A_1143 : vector<16xf32>
      %add3A_1146 = arith.addf %add3A_1040, %mul3A_1145 : vector<16xf32>
      %mul3A_1147 = arith.mulf %get3A_1138, %unpack3A_1144 : vector<16xf32>
      %add3A_1148 = arith.addf %add3A_1042, %mul3A_1147 : vector<16xf32>
      %get3A_1149 = arith.index_cast %add3A_1083 : i32 to index
      %get3A_1150 = arith.constant 80 : index
      %get3A_1151 = tpu.vector_load %arg8[%get3A_1149, %get3A_1150] {strides = array<i32>} : memref<200x128xf32, #tpu.memory_space<vmem>>, vector<16xf32>,
      %get3A_1152 = arith.index_cast %add3A_1083 : i32 to index
      %get3A_1153 = arith.constant 80 : index
      %get3A_1154 = tpu.vector_load %arg9[%get3A_1152, %get3A_1153] {strides = array<i32>} : memref<200x128xi32, #tpu.memory_space<vmem>>, vector<16xi32>,
      %bitcast3A_1155 = vector.bitcast %get3A_1154 : vector<16xi32> to vector<32xbf16>
      %unpack3A_1156 = tpu.unpack_subelements %bitcast3A_1155, 0 {pack_format = #tpu.pack_format<interleaved>} : vector<32xbf16> -> vector<16xf32>
      %unpack3A_1157 = tpu.unpack_subelements %bitcast3A_1155, 1 {pack_format = #tpu.pack_format<interleaved>} : vector<32xbf16> -> vector<16xf32>
      %mul3A_1158 = arith.mulf %get3A_1151, %unpack3A_1156 : vector<16xf32>
      %add3A_1159 = arith.addf %add3A_1053, %mul3A_1158 : vector<16xf32>
      %mul3A_1160 = arith.mulf %get3A_1151, %unpack3A_1157 : vector<16xf32>
      %add3A_1161 = arith.addf %add3A_1055, %mul3A_1160 : vector<16xf32>
      %get3A_1162 = arith.index_cast %add3A_1083 : i32 to index
      %get3A_1163 = arith.constant 96 : index
      %get3A_1164 = tpu.vector_load %arg8[%get3A_1162, %get3A_1163] {strides = array<i32>} : memref<200x128xf32, #tpu.memory_space<vmem>>, vector<16xf32>,
      %get3A_1165 = arith.index_cast %add3A_1083 : i32 to index
      %get3A_1166 = arith.constant 96 : index
      %get3A_1167 = tpu.vector_load %arg9[%get3A_1165, %get3A_1166] {strides = array<i32>} : memref<200x128xi32, #tpu.memory_space<vmem>>, vector<16xi32>,
      %bitcast3A_1168 = vector.bitcast %get3A_1167 : vector<16xi32> to vector<32xbf16>
      %unpack3A_1169 = tpu.unpack_subelements %bitcast3A_1168, 0 {pack_format = #tpu.pack_format<interleaved>} : vector<32xbf16> -> vector<16xf32>
      %unpack3A_1170 = tpu.unpack_subelements %bitcast3A_1168, 1 {pack_format = #tpu.pack_format<interleaved>} : vector<32xbf16> -> vector<16xf32>
      %mul3A_1171 = arith.mulf %get3A_1164, %unpack3A_1169 : vector<16xf32>
      %add3A_1172 = arith.addf %add3A_1066, %mul3A_1171 : vector<16xf32>
      %mul3A_1173 = arith.mulf %get3A_1164, %unpack3A_1170 : vector<16xf32>
      %add3A_1174 = arith.addf %add3A_1068, %mul3A_1173 : vector<16xf32>
      %get3A_1175 = arith.index_cast %add3A_1083 : i32 to index
      %get3A_1176 = arith.constant 112 : index
      %get3A_1177 = tpu.vector_load %arg8[%get3A_1175, %get3A_1176] {strides = array<i32>} : memref<200x128xf32, #tpu.memory_space<vmem>>, vector<16xf32>,
      %get3A_1178 = arith.index_cast %add3A_1083 : i32 to index
      %get3A_1179 = arith.constant 112 : index
      %get3A_1180 = tpu.vector_load %arg9[%get3A_1178, %get3A_1179] {strides = array<i32>} : memref<200x128xi32, #tpu.memory_space<vmem>>, vector<16xi32>,
      %bitcast3A_1181 = vector.bitcast %get3A_1180 : vector<16xi32> to vector<32xbf16>
      %unpack3A_1182 = tpu.unpack_subelements %bitcast3A_1181, 0 {pack_format = #tpu.pack_format<interleaved>} : vector<32xbf16> -> vector<16xf32>
      %unpack3A_1183 = tpu.unpack_subelements %bitcast3A_1181, 1 {pack_format = #tpu.pack_format<interleaved>} : vector<32xbf16> -> vector<16xf32>
      %mul3A_1184 = arith.mulf %get3A_1177, %unpack3A_1182 : vector<16xf32>
      %add3A_1185 = arith.addf %add3A_1079, %mul3A_1184 : vector<16xf32>
      %mul3A_1186 = arith.mulf %get3A_1177, %unpack3A_1183 : vector<16xf32>
      %add3A_1187 = arith.addf %add3A_1081, %mul3A_1186 : vector<16xf32>
      scf.yield %add3A_1094, %add3A_1096, %add3A_1107, %add3A_1109, %add3A_1120, %add3A_1122, %add3A_1133, %add3A_1135, %add3A_1146, %add3A_1148, %add3A_1159, %add3A_1161, %add3A_1172, %add3A_1174, %add3A_1185, %add3A_1187 : vector<16xf32>, vector<16xf32>, vector<16xf32>, vector<16xf32>, vector<16xf32>, vector<16xf32>, vector<16xf32>, vector<16xf32>, vector<16xf32>, vector<16xf32>, vector<16xf32>, vector<16xf32>, vector<16xf32>, vector<16xf32>, vector<16xf32>, vector<16xf32>
    }
    %scan3A_15 = arith.constant 20 : i32
    %get3A = arith.constant 0 : i32
    %get3A_16 = arith.index_cast %get3A : i32 to index
    %get3A_17 = arith.constant 0 : index
    %get3A_18 = tpu.vector_load %arg10[%get3A_16, %get3A_17] {strides = array<i32>} : memref<2x16xf32, #tpu.memory_space<vmem>>, vector<16xf32>,
    %get3A_19 = arith.constant 1 : i32
    %get3A_20 = arith.index_cast %get3A_19 : i32 to index
    %get3A_21 = arith.constant 0 : index
    %get3A_22 = tpu.vector_load %arg10[%get3A_20, %get3A_21] {strides = array<i32>} : memref<2x16xf32, #tpu.memory_space<vmem>>, vector<16xf32>,
    %add3A_23 = arith.addf %scan3A_14#0, %get3A_18 : vector<16xf32>
    %swap3A = arith.constant 0 : i32
    %swap3A_24 = arith.index_cast %swap3A : i32 to index
    %swap3A_25 = arith.constant 0 : index
    %swap3A_26 = tpu.vector_load %arg11[%swap3A_24, %swap3A_25] {strides = array<i32>} : memref<2x128xf32, #tpu.memory_space<vmem>>, vector<16xf32>,
    tpu.vector_store %arg11[%swap3A_24, %swap3A_25], %add3A_23 {strides = array<i32>} : memref<2x128xf32, #tpu.memory_space<vmem>>, vector<16xf32>,
    %add3A_27 = arith.addf %scan3A_14#1, %get3A_22 : vector<16xf32>
    %swap3A_28 = arith.constant 1 : i32
    %swap3A_29 = arith.index_cast %swap3A_28 : i32 to index
    %swap3A_30 = arith.constant 0 : index
    %swap3A_31 = tpu.vector_load %arg11[%swap3A_29, %swap3A_30] {strides = array<i32>} : memref<2x128xf32, #tpu.memory_space<vmem>>, vector<16xf32>,
    tpu.vector_store %arg11[%swap3A_29, %swap3A_30], %add3A_27 {strides = array<i32>} : memref<2x128xf32, #tpu.memory_space<vmem>>, vector<16xf32>,
    %add3A_32 = arith.addf %scan3A_14#2, %get3A_18 : vector<16xf32>
    %swap3A_33 = arith.constant 0 : i32
    %swap3A_34 = arith.index_cast %swap3A_33 : i32 to index
    %swap3A_35 = arith.constant 16 : index
    %swap3A_36 = tpu.vector_load %arg11[%swap3A_34, %swap3A_35] {strides = array<i32>} : memref<2x128xf32, #tpu.memory_space<vmem>>, vector<16xf32>,
    tpu.vector_store %arg11[%swap3A_34, %swap3A_35], %add3A_32 {strides = array<i32>} : memref<2x128xf32, #tpu.memory_space<vmem>>, vector<16xf32>,
    %add3A_37 = arith.addf %scan3A_14#3, %get3A_22 : vector<16xf32>
    %swap3A_38 = arith.constant 1 : i32
    %swap3A_39 = arith.index_cast %swap3A_38 : i32 to index
    %swap3A_40 = arith.constant 16 : index
    %swap3A_41 = tpu.vector_load %arg11[%swap3A_39, %swap3A_40] {strides = array<i32>} : memref<2x128xf32, #tpu.memory_space<vmem>>, vector<16xf32>,
    tpu.vector_store %arg11[%swap3A_39, %swap3A_40], %add3A_37 {strides = array<i32>} : memref<2x128xf32, #tpu.memory_space<vmem>>, vector<16xf32>,
    %add3A_42 = arith.addf %scan3A_14#4, %get3A_18 : vector<16xf32>
    %swap3A_43 = arith.constant 0 : i32
    %swap3A_44 = arith.index_cast %swap3A_43 : i32 to index
    %swap3A_45 = arith.constant 32 : index
    %swap3A_46 = tpu.vector_load %arg11[%swap3A_44, %swap3A_45] {strides = array<i32>} : memref<2x128xf32, #tpu.memory_space<vmem>>, vector<16xf32>,
    tpu.vector_store %arg11[%swap3A_44, %swap3A_45], %add3A_42 {strides = array<i32>} : memref<2x128xf32, #tpu.memory_space<vmem>>, vector<16xf32>,
    %add3A_47 = arith.addf %scan3A_14#5, %get3A_22 : vector<16xf32>
    %swap3A_48 = arith.constant 1 : i32
    %swap3A_49 = arith.index_cast %swap3A_48 : i32 to index
    %swap3A_50 = arith.constant 32 : index
    %swap3A_51 = tpu.vector_load %arg11[%swap3A_49, %swap3A_50] {strides = array<i32>} : memref<2x128xf32, #tpu.memory_space<vmem>>, vector<16xf32>,
    tpu.vector_store %arg11[%swap3A_49, %swap3A_50], %add3A_47 {strides = array<i32>} : memref<2x128xf32, #tpu.memory_space<vmem>>, vector<16xf32>,
    %add3A_52 = arith.addf %scan3A_14#6, %get3A_18 : vector<16xf32>
    %swap3A_53 = arith.constant 0 : i32
    %swap3A_54 = arith.index_cast %swap3A_53 : i32 to index
    %swap3A_55 = arith.constant 48 : index
    %swap3A_56 = tpu.vector_load %arg11[%swap3A_54, %swap3A_55] {strides = array<i32>} : memref<2x128xf32, #tpu.memory_space<vmem>>, vector<16xf32>,
    tpu.vector_store %arg11[%swap3A_54, %swap3A_55], %add3A_52 {strides = array<i32>} : memref<2x128xf32, #tpu.memory_space<vmem>>, vector<16xf32>,
    %add3A_57 = arith.addf %scan3A_14#7, %get3A_22 : vector<16xf32>
    %swap3A_58 = arith.constant 1 : i32
    %swap3A_59 = arith.index_cast %swap3A_58 : i32 to index
    %swap3A_60 = arith.constant 48 : index
    %swap3A_61 = tpu.vector_load %arg11[%swap3A_59, %swap3A_60] {strides = array<i32>} : memref<2x128xf32, #tpu.memory_space<vmem>>, vector<16xf32>,
    tpu.vector_store %arg11[%swap3A_59, %swap3A_60], %add3A_57 {strides = array<i32>} : memref<2x128xf32, #tpu.memory_space<vmem>>, vector<16xf32>,
    %add3A_62 = arith.addf %scan3A_14#8, %get3A_18 : vector<16xf32>
    %swap3A_63 = arith.constant 0 : i32
    %swap3A_64 = arith.index_cast %swap3A_63 : i32 to index
    %swap3A_65 = arith.constant 64 : index
    %swap3A_66 = tpu.vector_load %arg11[%swap3A_64, %swap3A_65] {strides = array<i32>} : memref<2x128xf32, #tpu.memory_space<vmem>>, vector<16xf32>,
    tpu.vector_store %arg11[%swap3A_64, %swap3A_65], %add3A_62 {strides = array<i32>} : memref<2x128xf32, #tpu.memory_space<vmem>>, vector<16xf32>,
    %add3A_67 = arith.addf %scan3A_14#9, %get3A_22 : vector<16xf32>
    %swap3A_68 = arith.constant 1 : i32
    %swap3A_69 = arith.index_cast %swap3A_68 : i32 to index
    %swap3A_70 = arith.constant 64 : index
    %swap3A_71 = tpu.vector_load %arg11[%swap3A_69, %swap3A_70] {strides = array<i32>} : memref<2x128xf32, #tpu.memory_space<vmem>>, vector<16xf32>,
    tpu.vector_store %arg11[%swap3A_69, %swap3A_70], %add3A_67 {strides = array<i32>} : memref<2x128xf32, #tpu.memory_space<vmem>>, vector<16xf32>,
    %add3A_72 = arith.addf %scan3A_14#10, %get3A_18 : vector<16xf32>
    %swap3A_73 = arith.constant 0 : i32
    %swap3A_74 = arith.index_cast %swap3A_73 : i32 to index
    %swap3A_75 = arith.constant 80 : index
    %swap3A_76 = tpu.vector_load %arg11[%swap3A_74, %swap3A_75] {strides = array<i32>} : memref<2x128xf32, #tpu.memory_space<vmem>>, vector<16xf32>,
    tpu.vector_store %arg11[%swap3A_74, %swap3A_75], %add3A_72 {strides = array<i32>} : memref<2x128xf32, #tpu.memory_space<vmem>>, vector<16xf32>,
    %add3A_77 = arith.addf %scan3A_14#11, %get3A_22 : vector<16xf32>
    %swap3A_78 = arith.constant 1 : i32
    %swap3A_79 = arith.index_cast %swap3A_78 : i32 to index
    %swap3A_80 = arith.constant 80 : index
    %swap3A_81 = tpu.vector_load %arg11[%swap3A_79, %swap3A_80] {strides = array<i32>} : memref<2x128xf32, #tpu.memory_space<vmem>>, vector<16xf32>,
    tpu.vector_store %arg11[%swap3A_79, %swap3A_80], %add3A_77 {strides = array<i32>} : memref<2x128xf32, #tpu.memory_space<vmem>>, vector<16xf32>,
    %add3A_82 = arith.addf %scan3A_14#12, %get3A_18 : vector<16xf32>
    %swap3A_83 = arith.constant 0 : i32
    %swap3A_84 = arith.index_cast %swap3A_83 : i32 to index
    %swap3A_85 = arith.constant 96 : index
    %swap3A_86 = tpu.vector_load %arg11[%swap3A_84, %swap3A_85] {strides = array<i32>} : memref<2x128xf32, #tpu.memory_space<vmem>>, vector<16xf32>,
    tpu.vector_store %arg11[%swap3A_84, %swap3A_85], %add3A_82 {strides = array<i32>} : memref<2x128xf32, #tpu.memory_space<vmem>>, vector<16xf32>,
    %add3A_87 = arith.addf %scan3A_14#13, %get3A_22 : vector<16xf32>
    %swap3A_88 = arith.constant 1 : i32
    %swap3A_89 = arith.index_cast %swap3A_88 : i32 to index
    %swap3A_90 = arith.constant 96 : index
    %swap3A_91 = tpu.vector_load %arg11[%swap3A_89, %swap3A_90] {strides = array<i32>} : memref<2x128xf32, #tpu.memory_space<vmem>>, vector<16xf32>,
    tpu.vector_store %arg11[%swap3A_89, %swap3A_90], %add3A_87 {strides = array<i32>} : memref<2x128xf32, #tpu.memory_space<vmem>>, vector<16xf32>,
    %add3A_92 = arith.addf %scan3A_14#14, %get3A_18 : vector<16xf32>
    %swap3A_93 = arith.constant 0 : i32
    %swap3A_94 = arith.index_cast %swap3A_93 : i32 to index
    %swap3A_95 = arith.constant 112 : index
    %swap3A_96 = tpu.vector_load %arg11[%swap3A_94, %swap3A_95] {strides = array<i32>} : memref<2x128xf32, #tpu.memory_space<vmem>>, vector<16xf32>,
    tpu.vector_store %arg11[%swap3A_94, %swap3A_95], %add3A_92 {strides = array<i32>} : memref<2x128xf32, #tpu.memory_space<vmem>>, vector<16xf32>,
    %add3A_97 = arith.addf %scan3A_14#15, %get3A_22 : vector<16xf32>
    %swap3A_98 = arith.constant 1 : i32
    %swap3A_99 = arith.index_cast %swap3A_98 : i32 to index
    %swap3A_100 = arith.constant 112 : index
    %swap3A_101 = tpu.vector_load %arg11[%swap3A_99, %swap3A_100] {strides = array<i32>} : memref<2x128xf32, #tpu.memory_space<vmem>>, vector<16xf32>,
    tpu.vector_store %arg11[%swap3A_99, %swap3A_100], %add3A_97 {strides = array<i32>} : memref<2x128xf32, #tpu.memory_space<vmem>>, vector<16xf32>,
    "tpu.region"() ({
      %run_scoped3A = tpu.sem_alloc : memref<!tpu.dma_semaphore, #tpu.memory_space<semaphore_mem>>
      %dma_start3A = arith.constant 0 : i32
      %dma_start3A_102 = tpu.memref_slice %arg6[%dma_start3A, %mul3A_2] : memref<2x4096xf32, #tpu.memory_space<hbm>> -> memref<2x128xf32, #tpu.memory_space<hbm>>
      %dma_start3A_103 = arith.constant 0 : i32
      %dma_start3A_104 = tpu.memref_slice %arg6[%dma_start3A_103, %mul3A_2] : memref<2x4096xf32, #tpu.memory_space<hbm>> -> memref<2x128xf32, #tpu.memory_space<hbm>>
      tpu.enqueue_dma source(%arg11 : memref<2x128xf32, #tpu.memory_space<vmem>>) target(%dma_start3A_104 : memref<2x128xf32, #tpu.memory_space<hbm>>) target_semaphore(%run_scoped3A : memref<!tpu.dma_semaphore, #tpu.memory_space<semaphore_mem>>)
      %dma_wait3A = arith.constant 0 : i32
      %dma_wait3A_105 = tpu.memref_slice %arg6[%dma_wait3A, %mul3A_2] : memref<2x4096xf32, #tpu.memory_space<hbm>> -> memref<2x128xf32, #tpu.memory_space<hbm>>
      %dma_wait3A_106 = arith.constant 0 : i32
      %dma_wait3A_107 = tpu.memref_slice %arg6[%dma_wait3A_106, %mul3A_2] : memref<2x4096xf32, #tpu.memory_space<hbm>> -> memref<2x128xf32, #tpu.memory_space<hbm>>
      tpu.wait_dma2 semaphore(%run_scoped3A : memref<!tpu.dma_semaphore, #tpu.memory_space<semaphore_mem>>) src(%arg11 : memref<2x128xf32, #tpu.memory_space<vmem>>) dst(%dma_wait3A_107 : memref<2x128xf32, #tpu.memory_space<hbm>>)
      tpu.yield
    }) : () -> ()
    return
  }
}

module attributes {stable_mosaic.version = 14 : i64} {
  func.func @_proj_body(%arg0: i32, %arg1: memref<64x2xf32, #tpu.memory_space<vmem>>, %arg2: memref<64x32768xf32, #tpu.memory_space<vmem>>, %arg3: memref<32768xi32, #tpu.memory_space<vmem>>) attributes {dimension_semantics = [#tpu.dimension_semantics<arbitrary>], iteration_bounds = array<i64: 31>, scalar_prefetch = 0 : i64, scratch_operands = 0 : i64, tpu.core_type = #tpu.core_type<tc>, window_params = [{pipeline_mode = #tpu.pipeline_mode<synchronous>, transform_indices = @transform_0, window_bounds = array<i64: 64, 2>}, {transform_indices = @transform_1, window_bounds = array<i64: 64, 32768>}, {transform_indices = @transform_2, window_bounds = array<i64: 32768>}]} {
    %get3A = arith.constant 0 : index
    %get3A_0 = arith.constant 0 : index
    %get3A_1 = vector.load %arg1[%get3A, %get3A_0] : memref<64x2xf32, #tpu.memory_space<vmem>>, vector<64x2xf32>
    %mul3A = arith.constant 5.000000e-03 : f32
    %mul3A_2 = vector.broadcast %mul3A : f32 to vector<64x2xf32>
    %mul3A_3 = arith.mulf %get3A_1, %mul3A_2 : vector<64x2xf32>
    %get3A_4 = arith.constant 0 : index
    %get3A_5 = arith.constant 0 : index
    %get3A_6 = vector.load %arg2[%get3A_4, %get3A_5] : memref<64x32768xf32, #tpu.memory_space<vmem>>, vector<64x32768xf32>
    %dot_general3A = arith.constant dense<0.000000e+00> : vector<2x32768xf32>
    %dot_general3A_7 = tpu.matmul %mul3A_3, %get3A_6, %dot_general3A {dimension_numbers = #tpu.dot_dimension_numbers<[0], [0], [1], [1], [0, 1, 1, 1], [], []>, transpose_lhs_hint = false} : vector<64x2xf32>, vector<64x32768xf32>, vector<2x32768xf32> -> vector<2x32768xf32>
    %slice3A = vector.extract_strided_slice %dot_general3A_7 {offsets = [0, 0], sizes = [1, 32768], strides = [1, 1]} : vector<2x32768xf32> to vector<1x32768xf32>
    %squeeze3A = vector.shape_cast %slice3A : vector<1x32768xf32> to vector<32768xf32>
    %convert_element_type3A = arith.truncf %squeeze3A : vector<32768xf32> to vector<32768xbf16>
    %bitcast_convert_type3A = tpu.bitcast %convert_element_type3A : vector<32768xbf16> -> vector<32768xi16>
    %convert_element_type3A_8 = arith.extui %bitcast_convert_type3A : vector<32768xi16> to vector<32768xi32>
    %slice3A_9 = vector.extract_strided_slice %dot_general3A_7 {offsets = [1, 0], sizes = [1, 32768], strides = [1, 1]} : vector<2x32768xf32> to vector<1x32768xf32>
    %squeeze3A_10 = vector.shape_cast %slice3A_9 : vector<1x32768xf32> to vector<32768xf32>
    %convert_element_type3A_11 = arith.truncf %squeeze3A_10 : vector<32768xf32> to vector<32768xbf16>
    %bitcast_convert_type3A_12 = tpu.bitcast %convert_element_type3A_11 : vector<32768xbf16> -> vector<32768xi16>
    %convert_element_type3A_13 = arith.extui %bitcast_convert_type3A_12 : vector<32768xi16> to vector<32768xi32>
    %shift_left3A = arith.constant 16 : i32
    %shift_left3A_14 = vector.broadcast %shift_left3A : i32 to vector<32768xi32>
    %shift_left3A_15 = arith.shli %convert_element_type3A_13, %shift_left3A_14 : vector<32768xi32>
    %or3A = arith.ori %convert_element_type3A_8, %shift_left3A_15 : vector<32768xi32>
    %swap3A = arith.constant 0 : index
    %swap3A_16 = vector.load %arg3[%swap3A] : memref<32768xi32, #tpu.memory_space<vmem>>, vector<32768xi32>
    tpu.vector_store %arg3[%swap3A], %or3A {strides = array<i32>} : memref<32768xi32, #tpu.memory_space<vmem>>, vector<32768xi32>,
    return
  }
  func.func @transform_0(%arg0: i32) -> (i32, i32) {
    %c0_i32 = arith.constant 0 : i32
    %c0_i32_0 = arith.constant 0 : i32
    %c0_i32_1 = arith.constant 0 : i32
    return %c0_i32, %c0_i32_0 : i32, i32
  }
  func.func @transform_1(%arg0: i32) -> (i32, i32) {
    %c0_i32 = arith.constant 0 : i32
    %c0_i32_0 = arith.constant 0 : i32
    return %c0_i32, %arg0 : i32, i32
  }
  func.func @transform_2(%arg0: i32) -> i32 {
    %c0_i32 = arith.constant 0 : i32
    return %arg0 : i32
  }
}

</mosaic_0001>

<sc_bundles>
// kernel: kernel.4.cloned.1.call-start
scs
__scs_entry_jumppad:
0x0: {  	(pc) =	sbr.rel $0x88, $3  }
0x1: {  	(tag) =	ssettag $0x0;
	lr =	simm.s32 $0x1  }
0x2: {  	[smem:$0x3F9C] =	sst lr;
	_ =	strace $0xD0000000  }
0x3: {  	_ = 	snop  }
0x4: {  	_ = 	snop  }
0x5: {  	_ = 	snop  }
0x6: {  	_ = 	snop  }
0x7: {  	_ = 	snop  }
__scs_overlays_trampoline_lowered:
0x8: {  	[smem:$0x3FAB] =	sst s0  }
0x9: {  	[smem:$0x3FAC] =	sst s1  }
0xa: {  	[smem:$0x3FAD] =	sst s2  }
0xb: {  	[smem:$0x3FAE] =	sst s3  }
0xc: {  	[smem:$0x3FAF] =	sst s4  }
0xd: {  	[smem:$0x3FB0] =	sst s5  }
0xe: {  	[smem:$0x3FB1] =	sst s6  }
0xf: {  	[smem:$0x3FB2] =	sst s7  }
0x10: {  	[smem:$0x3FB3] =	sst s8  }
0x11: {  	[smem:$0x3FB4] =	sst s9;
	s0 =	simm.s32 @!p0 $0x0  }
0x12: {  	s1 =	sld [smem:$0x3F9A];
	s0 =	simm.s32 @p0 $0x1  }
0x13: {  	[smem:$0x3FB5] =	sst s0;
	s0 =	simm.s32 @!p1 $0x0  }
0x14: {  	s2 =	sld [smem:$0x3F99];
	s0 =	simm.s32 @p1 $0x1  }
0x15: {  	[smem:$0x3FB6] =	sst s0;
	s0 =	simm.s32 @!p2 $0x0  }
0x16: {  	s3 =	sld [smem:$0x3FDB];
	s0 =	simm.s32 @p2 $0x1  }
0x17: {  	s4 =	simm.s32 $0x1BF5;
	[smem:$0x3FB8] =	sst s0  }
0x18: {  	s0 =	sld [smem:$0x3F9B];
	_ =	swait.ge [sflag:s4], $0x0  }
0x19: {  	s7 =	sld [smem:$0x3F9C]  }
0x1a: {  	s8 =	sadd.s32 $0xFFFFE003, lr  }
0x1b: {  	s9 =	sadd.s32 $0xFFFFFEF7, lr;
	s5 =	simm.s32 $0xFFFFFFFF;
	p2 =	slt.u32 s8, $0xFFFFF086  }
0x1c: {  	p1 =	slt.u32 s9, $0xF7A;
	s5 =	simm.s32 @!p2 $0x0  }
0x1d: {  	s5 =	simm.s32 @p1 $0x1;
	p0 =	seq.s32 s7, s2  }
0x1e: {  	s7 =	smul.u32 @!p0 $0xF7A, s2;
	p2 =	seq.s32 @!p0 s5, $0x0  }
0x1f: {  	s9 =	smul.u32 $0xF7A, s1;
	s8 =	simm.s32 @!p0 $0x1BF5;
	p2 =	por !p2, p0  }
0x20: {  	[sflag:s8] =	ssyncset.s32 @!p0 $0xFFFFF086;
	s6 =	sadd.s32 @!p0 s3, s7;
	s7 =	simm.s32 @!p0 $0x108  }
0x21: {  	s3 =	sadd.s32 s3, s9;
	s6 =	sadd.s32 @!p0 $0x88, s6;
	s7 =	simm.s32 @p2 $0x1082  }
0x22: {  	[simem:s7], [sflag:s8] =	dma.local @!p0 [hbm:s6], $0xF7A  }
0x23: {  	s9 =	sor.u32 $0xD0000000, s2;
	s6 =	simm.s32 $0x108;
	_ =	swait.ge @!p0 [sflag:s8], $0x0  }
0x24: {  	s3 =	sadd.s32 $0x88, s3;
	s6 =	simm.s32 @!p1 $0x1082;
	[sflag:s4] =	ssyncset.s32 $0xFFFFF086  }
0x25: {  	[simem:s6], [sflag:s4] =	dma.local [hbm:s3], $0xF7A  }
0x26: {  	[smem:$0x3F9C] =	sst s1;
	(tag) =	ssettag s2;
	_ =	strace s9  }
0x27: {  	s1 =	sld [smem:$0x3FAC]  }
0x28: {  	s2 =	sld [smem:$0x3FAD]  }
0x29: {  	s4 =	sld [smem:$0x3FAF]  }
0x2a: {  	p0 =	seq.s32 s5, $0x0;
	s5 =	sld [smem:$0x3FB0]  }
0x2b: {  	s6 =	sld [smem:$0x3FB1]  }
0x2c: {  	s7 =	sld [smem:$0x3FB2]  }
0x2d: {  	s3 =	simm.s32 $0x108;
	s8 =	sld [smem:$0x3FB3]  }
0x2e: {  	s3 =	simm.s32 @!p0 $0x1082;
	s9 =	sld [smem:$0x3FB4]  }
0x2f: {  	lr =	sadd.s32 s0, s3;
	s0 =	sld [smem:$0x3FAB]  }
0x30: {  	s3 =	sld [smem:$0x3FAE]  }
0x31: {  	[smem:$0x3FB7] =	sst s10  }
0x32: {  	s10 =	sld [smem:$0x3FB5];
	_ =	sdelay $0x3  }
0x33: {  	p0 =	seq.s32 s10, $0x1;
	s10 =	sld [smem:$0x3FB7];
	_ =	sdelay $0x3  }
0x34: {  	[smem:$0x3FB7] =	sst s10  }
0x35: {  	s10 =	sld [smem:$0x3FB6];
	_ =	sdelay $0x3  }
0x36: {  	p1 =	seq.s32 s10, $0x1;
	s10 =	sld [smem:$0x3FB7];
	_ =	sdelay $0x3  }
0x37: {  	[smem:$0x3FB7] =	sst s10  }
0x38: {  	s10 =	sld [smem:$0x3FB8]  }
0x39: {  	_ = 	snop;
	(pc) =	sbr.ind lr, $3  }
0x3a: {  	_ = 	snop  }
0x3b: {  	_ = 	snop  }
0x3c: {  	p2 =	seq.s32 s10, $0x1;
	s10 =	sld [smem:$0x3FB7]  }
0x3d: {  	_ =	shalt  }
0x3e: {  	_ =	shalt  }
0x3f: {  	_ =	shalt  }
0x40: {  	_ =	shalt  }
0x41: {  	_ =	shalt  }
0x42: {  	_ =	shalt  }
0x43: {  	_ =	shalt  }
0x44: {  	_ =	shalt  }
0x45: {  	_ =	shalt  }
0x46: {  	_ =	shalt  }
0x47: {  	_ =	shalt  }
0x48: {  	_ =	shalt  }
0x49: {  	_ =	shalt  }
0x4a: {  	_ =	shalt  }
0x4b: {  	_ =	shalt  }
0x4c: {  	_ =	shalt  }
0x4d: {  	_ =	shalt  }
0x4e: {  	_ =	shalt  }
0x4f: {  	_ =	shalt  }
0x50: {  	_ =	shalt  }
0x51: {  	_ =	shalt  }
0x52: {  	_ =	shalt  }
0x53: {  	_ =	shalt  }
0x54: {  	_ =	shalt  }
0x55: {  	_ =	shalt  }
0x56: {  	_ =	shalt  }
0x57: {  	_ =	shalt  }
0x58: {  	_ =	shalt  }
0x59: {  	_ =	shalt  }
0x5a: {  	_ =	shalt  }
0x5b: {  	_ =	shalt  }
0x5c: {  	_ =	shalt  }
0x5d: {  	_ =	shalt  }
0x5e: {  	_ =	shalt  }
0x5f: {  	_ =	shalt  }
0x60: {  	_ =	shalt  }
0x61: {  	_ =	shalt  }
0x62: {  	_ =	shalt  }
0x63: {  	_ =	shalt  }
0x64: {  	_ =	shalt  }
0x65: {  	_ =	shalt  }
0x66: {  	_ =	shalt  }
0x67: {  	_ =	shalt  }
0x68: {  	_ =	shalt  }
0x69: {  	_ =	shalt  }
0x6a: {  	_ =	shalt  }
0x6b: {  	_ =	shalt  }
0x6c: {  	_ =	shalt  }
0x6d: {  	_ =	shalt  }
0x6e: {  	_ =	shalt  }
0x6f: {  	_ =	shalt  }
0x70: {  	_ =	shalt  }
0x71: {  	_ =	shalt  }
0x72: {  	_ =	shalt  }
0x73: {  	_ =	shalt  }
0x74: {  	_ =	shalt  }
0x75: {  	_ =	shalt  }
0x76: {  	_ =	shalt  }
0x77: {  	_ =	shalt  }
0x78: {  	_ =	shalt  }
0x79: {  	_ =	shalt  }
0x7a: {  	_ =	shalt  }
0x7b: {  	_ =	shalt  }
0x7c: {  	_ =	shalt  }
0x7d: {  	_ =	shalt  }
0x7e: {  	_ =	shalt  }
0x7f: {  	_ =	shalt  }
0x80: {  	_ =	shalt  }
0x81: {  	_ =	shalt  }
0x82: {  	_ =	shalt  }
0x83: {  	_ =	shalt  }
0x84: {  	_ =	shalt  }
0x85: {  	_ =	shalt  }
0x86: {  	_ =	shalt  }
0x87: {  	_ =	shalt  }
.Lfunc_end0:
.L_simem_size_0:
called_computation_lowered:
.L_overlay_start_0:
0x88: {  	s2 =	sld [smem:$0x3FD9]  }
0x89: {  	s3 =	sld [smem:$0x3FFE];
	_ =	sdelay $0x1  }
0x8a: {  	s1 =	srdreg.scid  }
0x8b: {  	s0 =	sand.u32 $0x1, s1  }
0x8c: {  	s17 =	sshll.u32 s0, $0xA;
	s2 =	sadd.s32 s3, s2  }
0x8d: {  	s2 =	sadd.s32 s2, s17  }
0x8e: {  	[smem:$0x3FC3] =	sst s2  }
0x8f: {  	_ = 	snop  }
0x90: {  	s2 =	sld [smem:$0x3FD0];
	(tm) =	ssettm $0x1  }
0x91: {  	s18 =	sld [smem:$0x3FFB];
	_ =	sdelay $0x3  }
0x92: {  	_ =	strace s18  }
0x93: {  	s3 =	sld [smem:$0x3FFC];
	_ =	sdelay $0x3  }
0x94: {  	_ =	strace s3  }
0x95: {  	s3 =	sld [smem:$0x3FFD];
	_ =	sdelay $0x3  }
0x96: {  	_ =	strace s3  }
0x97: {  	_ =	strace $0x8FFFFFFF  }
0x98: {  	s19 =	sld [smem:$0x3FDB];
	_ =	sdelay $0x1  }
0x99: {  	s4 =	simm.s32 $_scs_section_size  }
0x9a: {  	s5 =	simm.s32 $_size__tile_overlayer_lowered;
	s6 =	simm.s32 $_tile_overlayer_lowered  }
0x9b: {  	s22 =	simm.s32 $0x1BFF;
	s21 =	sshll.u32 s6, $0x1;
	s3 =	sadd.s32 s4, s19  }
0x9c: {  	s7 =	simm.s32 $0x0;
	s20 =	sshll.u32 s5, $0x1;
	s5 =	sadd.s32 s21, s3  }
0x9d: {  	[timem:s7], [sflag:s22] =	dma.local [hbm:s5], s20  }
0x9e: {  	_ =	swait.ge [sflag:s22], s20  }
0x9f: {  	s4 =	ssub.s32 $0x0, s20;
	[sflag:s22] =	ssyncset.done $0x0  }
0xa0: {  	[sflag:s22] =	ssyncadd.s32 s4;
	_ =	sdelay $0x1  }
0xa1: {  	s23 =	simm.s32 $0x1B8B  }
0xa2: {  	_ =	swait.ge [sflag:s23], $0x1  }
0xa3: {  	[sflag:s23] =	ssyncset.done $0x0  }
0xa4: {  	s25 =	simm.s32 $0x1B8E;
	s24 =	sld [smem:$0x3FFE];
	[sflag:s23] =	ssyncadd.s32 $0xFFFFFFFF  }
0xa5: {  	s26 =	simm.s32 $execute0_lowered;
	[smem:$0x3FD2] =	sst s25  }
0xa6: {  	s5 =	sshll.u32 s26, $0x1;
	_ =	strace $0x80000046;
	[dreg:$0x1] =	wrdreg $0xFFFFFFFF  }
0xa7: {  	s28 =	simm.s32 $_size_execute0_lowered;
	s3 =	sadd.s32 s3, s5;
	[dreg:$0x0] =	wrdreg $0x0  }
0xa8: {  	s5 =	sshll.u32 s28, $0x1;
	[dreg:$0x2] =	wrdreg s3  }
0xa9: {  	[dreg:$0x3] =	wrdreg s5  }
0xaa: {  	[dreg:$0x4] =	wrdreg $0xC0  }
0xab: {  	_ =	task [dreg:s7], $0x5FFFF  }
0xac: {  	[dreg:$0x1] =	wrdreg $0xFFFFFFFF  }
0xad: {  	[dreg:$0x0] =	wrdreg $0x60  }
0xae: {  	[dreg:$0x2] =	wrdreg s24  }
0xaf: {  	[dreg:$0x3] =	wrdreg s2  }
0xb0: {  	[dreg:$0x4] =	wrdreg $0x9  }
0xb1: {  	_ =	task.clear_ibuf [dreg:s7], $0x5FFFF;
	_ =	strace $0x90000046  }
0xb2: {  	s29 =	simm.s32 $0x9;
	_ =	strace $0x80000048  }
0xb3: {  	_ =	swait.ge [sflag:s29], $0x1  }
0xb4: {  	[sflag:s29] =	ssyncadd.s32 $0xFFFFFFFF  }
0xb5: {  	_ =	strace $0x90000048  }
0xb6: {  	_ =	sfence  }
0xb7: {  	s30 =	sld [smem:$0x0];
	_ =	sdelay $0x2  }
0xb8: {  	s31 =	sshll.u32 s1, $0xD;
	s1 =	sshrl.u32 s1, $0x2  }
0xb9: {  	s3 =	sand.u32 $0x4000, s31;
	s1 =	sadd.s32 s1, s30  }
0xba: {  	s0 =	sor.u32 s3, s0;
	s1 =	sshll.u32 s1, $0x11  }
0xbb: {  	s0 =	sor.u32 s1, s0  }
0xbc: {  	s0 =	sadd.s32 $0x8F2B, s0  }
0xbd: {  	[sflag:s0] =	ssyncadd.remote.s32 $0x1  }
0xbe: {  	_ =	sfence.sel $0xFFFF  }
0xbf: {  	[dreg:$0x0] =	wrdreg $0xFFFFFFFF;
	(pc) =	sbr.abs _section_cstart, $3  }
0xc0: {  	[dreg:$0x1] =	wrdreg $0xFFFFFFFF  }
0xc1: {  	_ =	task.clear_ibuf [dreg:s7], $0x2FFFF;
	_ =	strace $0x9FFFFFFF  }
0xc2: {  	(tm) =	ssettm $0x7FFFFFFF  }
0xc3: {  	_ =	shalt  }
tec
execute0_lowered:
.L_overlay_start_1:
0x0: {  	(tag) =	ssettag $0x1  }
0x1: {  	s5 =	rddreg [dreg:$0x0]  }
0x2: {  	s1 =	rddreg [dreg:$0x1]  }
0x3: {  	s0 =	rddreg [dreg:$0x2];
	s3 =	simm.s32 $0x0;
	s4 =	srdreg.scid  }
0x4: {  	s2 =	stileid.u32;
	s10 =	simm.s32 $0x1000;
	s11 =	simm.s32 $0x2  }
0x5: {  	s12 =	simm.s32 $0x6400;
	s13 =	simm.s32 $0x12C00;
	s14 =	simm.s32 $0x1  }
0x6: {  	s15 =	simm.s32 $0x12C20;
	s16 =	simm.s32 $0x0;
	s4 =	sand.u32 $0x1, s4  }
0x7: {  	[smem:$0x7FF] =	sst s3;
	s6 =	sshll.u32 s2, $0x5;
	s7 =	sshll.u32 s4, $0x4  }
0x8: {  	s8 =	ssub.s32 $0x2, s4;
	_ =	strace $0x80000047;
	s6 =	sor.u32 s7, s6  }
0x9: {  	s4 =	sadd.s32 $0x32800, s5;
	s31 =	sshrl.u32 s8, $0x1;
	s9 =	sadd.s32 s6, s5  }
0xa: {  	s8 =	ssub.s32 s8, s31;
	s5 =	sadd.s32 $0x800, s9;
	s6 =	sadd.s32 $0x19800, s9  }
0xb: {  	s7 =	sadd.s32 $0x51200, s9;
	s8 =	smax.u32 s8, $0x1;
	s9 =	simm.s32 $0x80  }
.LBB2_1:
0xc: {  	[tilespmem:s3], [sflag:$0x2] =	stream.strided.gather [hbm4b:s5+s9], $0x6400, s10, s9, $0x38;
	[tilespmem:$0x12D20] =	vst v63  }
0xd: {  	_ =	swait.ge [sflag:s11], $0x6400  }
0xe: {  	[sflag:s11] =	ssyncset.done $0x0  }
0xf: {  	[sflag:s11] =	ssyncadd.s32 $0xFFFF9C00  }
0x10: {  	[tilespmem:s12], [sflag:$0x2] =	stream.strided.gather [hbm4b:s6+s9], $0x6400, s10, s9, $0x38;
	[tilespmem:$0x12D20] =	vst v63  }
0x11: {  	_ =	swait.ge [sflag:s11], $0x6400  }
0x12: {  	[sflag:s11] =	ssyncset.done $0x0  }
0x13: {  	[sflag:s11] =	ssyncadd.s32 $0xFFFF9C00  }
0x14: {  	[tilespmem:s13], [sflag:$0x2] =	stream.linear.gather [hbm4b:s1+s3], $0x20, $0x38;
	[tilespmem:$0x12D20] =	vst v63  }
0x15: {  	_ =	swait.ge [sflag:s11], $0x20  }
0x16: {  	s17 =	simm.s32 $0x0;
	s18 =	simm.s32 $0xC800;
	[sflag:s11] =	ssyncset.done $0x0  }
0x17: {  	s28 =	simm.s32 $0xC880;
	s29 =	simm.s32 $0x80;
	[sflag:s11] =	ssyncadd.s32 $0xFFFFFFE0  }
0x18: {  	[tilespmem:s18], [sflag:$0x1] =	stream.indirect.gather [hbm4b:s4+s9], $0x1, s17, s9, $0xb8;
	[tilespmem:$0x12D20] =	vst v63  }
0x19: {  	s30 =	simm.s32 $0xC900;
	s31 =	simm.s32 $0x100;
	s19 =	simm.s32 $0xC980  }
0x1a: {  	[tilespmem:s28], [sflag:$0x1] =	stream.indirect.gather [hbm4b:s4+s9], $0x1, s29, s9, $0xb8;
	[tilespmem:$0x12D20] =	vst v63  }
0x1b: {  	s20 =	simm.s32 $0x180;
	s17 =	simm.s32 $0x200;
	s18 =	simm.s32 $0x1000  }
0x1c: {  	[tilespmem:s30], [sflag:$0x1] =	stream.indirect.gather [hbm4b:s4+s9], $0x1, s31, s9, $0xb8;
	[tilespmem:$0x12D20] =	vst v63  }
.LBB2_2:
0x1d: {  	[tilespmem:s19], [sflag:$0x1] =	stream.indirect.gather [hbm4b:s4+s9], $0x1, s20, s9, $0xb8;
	[tilespmem:$0x12D20] =	vst v63  }
0x1e: {  	s19 =	smov.u32 s18;
	s22 =	sadd.s32 $0x800, s18  }
0x1f: {  	p0 =	sne.s32 s18, $0x18800;
	s21 =	sshra.s32 s19, $0x2;
	s19 =	sadd.s32 $0xC800, s17  }
0x20: {  	[tilespmem:s19], [sflag:$0x1] =	stream.indirect.gather [hbm4b:s4+s9], $0x1, s17, s9, $0xb8;
	[tilespmem:$0x12D20] =	vst v63  }
.Ltmp0:
0x21: {  	s20 =	sadd.s32 $0x80, s17;
	s19 =	sadd.s32 $0xC880, s17;
	(pc) =	sbr.rel @p0 .LBB2_2-.Ltmp0, $4  }
0x22: {  	[tilespmem:s19], [sflag:$0x1] =	stream.indirect.gather [hbm4b:s4+s9], $0x1, s20, s9, $0xb8;
	[tilespmem:$0x12D20] =	vst v63  }
0x23: {  	s18 =	sadd.s32 $0xC900, s17;
	s19 =	sadd.s32 $0x100, s17;
	s20 =	sadd.s32 $0x180, s17  }
0x24: {  	[tilespmem:s18], [sflag:$0x1] =	stream.indirect.gather [hbm4b:s4+s9], $0x1, s19, s9, $0xb8;
	[tilespmem:$0x12D20] =	vst v63  }
0x25: {  	s19 =	sadd.s32 $0xC980, s17;
	s17 =	smov.u32 s21;
	s18 =	smov.u32 s22  }
0x26: {  	[tilespmem:s19], [sflag:$0x1] =	stream.indirect.gather [hbm4b:s4+s9], $0x1, s20, s9, $0xb8;
	[tilespmem:$0x12D20] =	vst v63  }
0x27: {  	s18 =	sadd.s32 $0xC800, s17  }
0x28: {  	[tilespmem:s18], [sflag:$0x1] =	stream.indirect.gather [hbm4b:s4+s9], $0x1, s17, s9, $0xb8;
	[tilespmem:$0x12D20] =	vst v63  }
0x29: {  	s25 =	sadd.s32 $0xC880, s17;
	s26 =	sadd.s32 $0x80, s17;
	v0 =	vimm.f32 $0.0e+00  }
0x2a: {  	v1 =	vimm.f32 $0.0e+00;
	v2 =	vimm.f32 $0.0e+00;
	v3 =	vimm.f32 $0.0e+00;
	[tilespmem:s25], [sflag:$0x1] =	stream.indirect.gather [hbm4b:s4+s9], $0x1, s26, s9, $0xb8;
	[tilespmem:$0x12D20] =	vst v63  }
0x2b: {  	s28 =	sadd.s32 $0xC900, s17;
	s29 =	sadd.s32 $0x100, s17;
	v5 =	vimm.f32 $0.0e+00;
	v4 =	vimm.f32 $0.0e+00;
	v6 =	vimm.f32 $0.0e+00  }
0x2c: {  	v8 =	vimm.f32 $0.0e+00;
	v9 =	vimm.f32 $0.0e+00;
	v10 =	vimm.f32 $0.0e+00;
	[tilespmem:s28], [sflag:$0x1] =	stream.indirect.gather [hbm4b:s4+s9], $0x1, s29, s9, $0xb8;
	[tilespmem:$0x12D20] =	vst v63  }
0x2d: {  	s30 =	sadd.s32 $0xC980, s17;
	s31 =	sadd.s32 $0x180, s17;
	v7 =	vimm.f32 $0.0e+00;
	v11 =	vimm.f32 $0.0e+00;
	v13 =	vimm.f32 $0.0e+00;
	s17 =	simm.s32 $0x13C0  }
0x2e: {  	v14 =	vimm.f32 $0.0e+00;
	v15 =	vimm.f32 $0.0e+00;
	v12 =	vimm.f32 $0.0e+00;
	[tilespmem:s30], [sflag:$0x1] =	stream.indirect.gather [hbm4b:s4+s9], $0x1, s31, s9, $0xb8;
	[tilespmem:$0x12D20] =	vst v63  }
.LBB2_4:
0x2f: {  	_ =	swait.ge [sflag:s14], $0x500  }
0x30: {  	[sflag:s14] =	ssyncset.done $0x0  }
0x31: {  	s18 =	sshra.s32 s17, $0x2;
	[sflag:s14] =	ssyncadd.s32 $0xFFFFFB00  }
0x32: {  	v16 =	vld [tilespmem:s18+$0x5F10]  }
0x33: {  	v17 =	vld [tilespmem:s18+$0xC310]  }
0x34: {  	v18 =	vld [tilespmem:s18+$0x5F20]  }
0x35: {  	v19 =	vld [tilespmem:s18+$0xC320]  }
0x36: {  	v20 =	vld [tilespmem:s18+$0xC330]  }
0x37: {  	v21 =	vld [tilespmem:s18+$0x5F30]  }
0x38: {  	v24 =	vld [tilespmem:s18+$0xC340]  }
0x39: {  	v25 =	vld [tilespmem:s18+$0xC350]  }
0x3a: {  	v59 =	vld [tilespmem:s18+$0xC360]  }
0x3b: {  	v63 =	vld [tilespmem:s18+$0xC370]  }
0x3c: {  	v23 =	vld [tilespmem:s18+$0x5F40]  }
0x3d: {  	v29 =	vld [tilespmem:s18+$0xC380]  }
0x3e: {  	v26 =	vld [tilespmem:s18+$0x5F50];
	v22 =	vunpack.i.l.bf16.f32 v17;
	v17 =	vunpack.i.u.bf16.f32 v17  }
0x3f: {  	v36 =	vld [tilespmem:s18+$0xC3A0];
	v57 =	vunpack.i.l.bf16.f32 v20;
	v61 =	vunpack.i.u.bf16.f32 v24;
	v62 =	vunpack.i.l.bf16.f32 v25  }
0x40: {  	v41 =	vld [tilespmem:s18+$0xC3B0];
	v28 =	vunpack.i.u.bf16.f32 v25;
	v30 =	vunpack.i.l.bf16.f32 v59;
	v34 =	vunpack.i.u.bf16.f32 v63  }
0x41: {  	v44 =	vld [tilespmem:s18+$0xC3C0];
	v22 =	vmul.f32 v22, v16;
	v16 =	vmul.f32 v17, v16;
	v17 =	vunpack.i.u.bf16.f32 v19  }
0x42: {  	v46 =	vld [tilespmem:s18+$0xC3D0];
	v35 =	vunpack.i.l.bf16.f32 v63;
	v37 =	vunpack.i.l.bf16.f32 v29;
	v17 =	vmul.f32 v17, v18  }
0x43: {  	v58 =	vld [tilespmem:s18+$0x5F60];
	v40 =	vunpack.i.u.bf16.f32 v29;
	v15 =	vadd.f32 v16, v15;
	v16 =	vmul.f32 v57, v21  }
0x44: {  	v39 =	vld [tilespmem:s18+$0x5FB0];
	v43 =	vunpack.i.l.bf16.f32 v36;
	v13 =	vadd.f32 v17, v13;
	v17 =	vunpack.i.u.bf16.f32 v20  }
0x45: {  	v11 =	vadd.f32 v16, v11;
	v16 =	vmul.f32 v17, v21;
	v17 =	vunpack.i.l.bf16.f32 v24  }
0x46: {  	v60 =	vld [tilespmem:s18+$0x5F70];
	v45 =	vunpack.i.u.bf16.f32 v36;
	v47 =	vunpack.i.l.bf16.f32 v41;
	v17 =	vmul.f32 v17, v23  }
0x47: {  	v53 =	vld [tilespmem:s18+$0xC3F0];
	v51 =	vunpack.i.u.bf16.f32 v44;
	v52 =	vunpack.i.l.bf16.f32 v44;
	v54 =	vunpack.i.l.bf16.f32 v46  }
0x48: {  	v7 =	vadd.f32 v16, v7;
	v16 =	vmul.f32 v28, v26;
	v10 =	vadd.f32 v17, v10;
	v17 =	vld [tilespmem:s18+$0x5F80]  }
0x49: {  	v42 =	vld [tilespmem:s18+$0x5FC0];
	v19 =	vunpack.i.l.bf16.f32 v19;
	v32 =	vmul.f32 v30, v58;
	v49 =	vmul.f32 v47, v39  }
0x4a: {  	v33 =	vld [tilespmem:s18+$0xC390];
	v19 =	vmul.f32 v19, v18;
	v6 =	vadd.f32 v16, v6;
	v16 =	vunpack.i.u.bf16.f32 v59  }
0x4b: {  	v31 =	vld [tilespmem:s18+$0x5F90];
	v18 =	vmul.f32 v34, v60;
	v12 =	vadd.f32 v22, v12;
	v16 =	vmul.f32 v16, v58  }
0x4c: {  	v63 =	vld [tilespmem:s18+$0xC420];
	v22 =	vmul.f32 v62, v26;
	v4 =	vadd.f32 v32, v4;
	v57 =	vunpack.i.u.bf16.f32 v46  }
0x4d: {  	v38 =	vld [tilespmem:s18+$0x5FA0];
	v62 =	vunpack.i.u.bf16.f32 v53;
	v5 =	vadd.f32 v16, v5;
	v16 =	vmul.f32 v37, v17  }
0x4e: {  	v48 =	vld [tilespmem:s18+$0x5FE0];
	v14 =	vadd.f32 v19, v14;
	v2 =	vadd.f32 v18, v2;
	v18 =	vmul.f32 v51, v42  }
0x4f: {  	v50 =	vld [tilespmem:s18+$0xC3E0];
	v1 =	vadd.f32 v16, v1;
	v16 =	vmul.f32 v40, v17;
	v17 =	vunpack.i.l.bf16.f32 v33  }
0x50: {  	v55 =	vld [tilespmem:s18+$0x5FF0];
	v21 =	vmul.f32 v61, v23;
	v8 =	vadd.f32 v22, v8;
	v17 =	vmul.f32 v17, v31  }
0x51: {  	v34 =	vld [tilespmem:s18+$0xC440];
	v23 =	vmul.f32 v35, v60;
	v60 =	vunpack.i.l.bf16.f32 v53;
	v35 =	vunpack.i.l.bf16.f32 v63  }
0x52: {  	v0 =	vadd.f32 v16, v0;
	v16 =	vmul.f32 v45, v38;
	v12 =	vadd.f32 v17, v12;
	v17 =	vld [tilespmem:s18+$0x5FD0]  }
0x53: {  	v61 =	vld [tilespmem:s18+$0xC410];
	v9 =	vadd.f32 v21, v9;
	v21 =	vunpack.i.u.bf16.f32 v33;
	v11 =	vadd.f32 v49, v11  }
0x54: {  	v56 =	vld [tilespmem:s18+$0x6000];
	v21 =	vmul.f32 v21, v31;
	v13 =	vadd.f32 v16, v13;
	v16 =	vunpack.i.u.bf16.f32 v41  }
0x55: {  	v44 =	vld [tilespmem:s18+$0xC470];
	v3 =	vadd.f32 v23, v3;
	v23 =	vmul.f32 v43, v38;
	v16 =	vmul.f32 v16, v39  }
0x56: {  	v51 =	vld [tilespmem:s18+$0xC490];
	v43 =	vunpack.i.u.bf16.f32 v34;
	v9 =	vadd.f32 v18, v9;
	v15 =	vadd.f32 v21, v15  }
0x57: {  	v29 =	vld [tilespmem:s18+$0x6030];
	v14 =	vadd.f32 v23, v14;
	v7 =	vadd.f32 v16, v7;
	v16 =	vmul.f32 v54, v17  }
0x58: {  	v59 =	vld [tilespmem:s18+$0x6010];
	v23 =	vmul.f32 v52, v42;
	v21 =	vunpack.i.u.bf16.f32 v50;
	v32 =	vunpack.i.u.bf16.f32 v61  }
0x59: {  	v58 =	vld [tilespmem:s18+$0xC400];
	v8 =	vadd.f32 v16, v8;
	v16 =	vmul.f32 v57, v17;
	v17 =	vunpack.i.l.bf16.f32 v50  }
0x5a: {  	v42 =	vld [tilespmem:s18+$0xC460];
	v52 =	vunpack.i.l.bf16.f32 v44;
	v21 =	vmul.f32 v21, v48;
	v17 =	vmul.f32 v17, v48  }
0x5b: {  	v36 =	vld [tilespmem:s18+$0x6040];
	v10 =	vadd.f32 v23, v10;
	v23 =	vmul.f32 v60, v55;
	v60 =	vunpack.i.u.bf16.f32 v51  }
0x5c: {  	v6 =	vadd.f32 v16, v6;
	v16 =	vmul.f32 v62, v55;
	v4 =	vadd.f32 v17, v4;
	v17 =	vld [tilespmem:s18+$0x6020]  }
0x5d: {  	v5 =	vadd.f32 v21, v5;
	v3 =	vadd.f32 v23, v3;
	v18 =	vmul.f32 v32, v59;
	v32 =	vld [tilespmem:s18+$0xC4E0]  }
0x5e: {  	v28 =	vunpack.i.l.bf16.f32 v58;
	v31 =	vld [tilespmem:s18+$0xC430];
	v2 =	vadd.f32 v16, v2;
	v16 =	vunpack.i.u.bf16.f32 v58  }
0x5f: {  	v33 =	vunpack.i.l.bf16.f32 v61;
	v40 =	vld [tilespmem:s18+$0x6060];
	v49 =	vunpack.i.u.bf16.f32 v42;
	v16 =	vmul.f32 v16, v56  }
0x60: {  	v61 =	vld [tilespmem:s18+$0xC4C0];
	v30 =	vmul.f32 v28, v56;
	v23 =	vmul.f32 v33, v59;
	v15 =	vadd.f32 v18, v15  }
0x61: {  	v46 =	vld [tilespmem:s18+$0x6080];
	v41 =	vunpack.i.l.bf16.f32 v34;
	v0 =	vadd.f32 v16, v0;
	v16 =	vmul.f32 v35, v17  }
0x62: {  	v59 =	vld [tilespmem:s18+$0xC4B0];
	v38 =	vunpack.i.u.bf16.f32 v63;
	v12 =	vadd.f32 v23, v12;
	v23 =	vmul.f32 v41, v36  }
0x63: {  	v39 =	vld [tilespmem:s18+$0xC450];
	v14 =	vadd.f32 v16, v14;
	v16 =	vmul.f32 v38, v17;
	v17 =	vunpack.i.l.bf16.f32 v31  }
0x64: {  	v37 =	vld [tilespmem:s18+$0x6050];
	v1 =	vadd.f32 v30, v1;
	v18 =	vmul.f32 v49, v40;
	v17 =	vmul.f32 v17, v29  }
0x65: {  	v53 =	vld [tilespmem:s18+$0x6090];
	v33 =	vunpack.i.l.bf16.f32 v61;
	v41 =	vunpack.i.u.bf16.f32 v32;
	v21 =	vunpack.i.u.bf16.f32 v31  }
0x66: {  	v13 =	vadd.f32 v16, v13;
	v16 =	vmul.f32 v43, v36;
	v11 =	vadd.f32 v17, v11;
	v17 =	vld [tilespmem:s18+$0x6070]  }
0x67: {  	v49 =	vld [tilespmem:s18+$0xC530];
	v30 =	vunpack.i.u.bf16.f32 v59;
	v21 =	vmul.f32 v21, v29;
	v10 =	vadd.f32 v23, v10  }
0x68: {  	v5 =	vadd.f32 v18, v5;
	v48 =	vld [tilespmem:s18+$0xC480];
	v9 =	vadd.f32 v16, v9;
	v16 =	vunpack.i.u.bf16.f32 v39  }
0x69: {  	v45 =	vunpack.i.l.bf16.f32 v39;
	v50 =	vunpack.i.l.bf16.f32 v42;
	v57 =	vld [tilespmem:s18+$0x60B0];
	v16 =	vmul.f32 v16, v37  }
0x6a: {  	v7 =	vadd.f32 v21, v7;
	v42 =	vld [tilespmem:s18+$0xC510];
	v47 =	vmul.f32 v45, v37;
	v23 =	vmul.f32 v50, v40  }
0x6b: {  	v63 =	vld [tilespmem:s18+$0x60D0];
	v58 =	vunpack.i.l.bf16.f32 v51;
	v6 =	vadd.f32 v16, v6;
	v16 =	vmul.f32 v52, v17  }
0x6c: {  	v40 =	vld [tilespmem:s18+$0xC500];
	v55 =	vunpack.i.u.bf16.f32 v44;
	v4 =	vadd.f32 v23, v4;
	v23 =	vmul.f32 v58, v53  }
0x6d: {  	v56 =	vld [tilespmem:s18+$0xC4A0];
	v3 =	vadd.f32 v16, v3;
	v16 =	vmul.f32 v55, v17;
	v17 =	vunpack.i.l.bf16.f32 v48  }
0x6e: {  	v54 =	vld [tilespmem:s18+$0x60A0];
	v8 =	vadd.f32 v47, v8;
	v18 =	vmul.f32 v30, v57;
	v17 =	vmul.f32 v17, v46  }
0x6f: {  	v34 =	vld [tilespmem:s18+$0x60E0];
	v50 =	vunpack.i.l.bf16.f32 v42;
	v58 =	vunpack.i.u.bf16.f32 v49;
	v21 =	vunpack.i.u.bf16.f32 v48  }
0x70: {  	v2 =	vadd.f32 v16, v2;
	v16 =	vmul.f32 v60, v53;
	v1 =	vadd.f32 v17, v1;
	v17 =	vld [tilespmem:s18+$0x60C0]  }
0x71: {  	v30 =	vld [tilespmem:s18+$0xC580];
	v47 =	vunpack.i.u.bf16.f32 v40;
	v21 =	vmul.f32 v21, v46;
	v12 =	vadd.f32 v23, v12  }
0x72: {  	v7 =	vadd.f32 v18, v7;
	v29 =	vld [tilespmem:s18+$0xC4D0];
	v15 =	vadd.f32 v16, v15;
	v16 =	vunpack.i.u.bf16.f32 v56  }
0x73: {  	v62 =	vunpack.i.l.bf16.f32 v56;
	v31 =	vunpack.i.l.bf16.f32 v59;
	v38 =	vld [tilespmem:s18+$0x6100];
	v16 =	vmul.f32 v16, v54  }
0x74: {  	v0 =	vadd.f32 v21, v0;
	v59 =	vld [tilespmem:s18+$0xC560];
	v28 =	vmul.f32 v62, v54;
	v23 =	vmul.f32 v31, v57  }
0x75: {  	v44 =	vld [tilespmem:s18+$0x6120];
	v39 =	vunpack.i.l.bf16.f32 v32;
	v13 =	vadd.f32 v16, v13;
	v16 =	vmul.f32 v33, v17  }
0x76: {  	v57 =	vld [tilespmem:s18+$0xC550];
	v36 =	vunpack.i.u.bf16.f32 v61;
	v11 =	vadd.f32 v23, v11;
	v23 =	vmul.f32 v39, v34  }
0x77: {  	v37 =	vld [tilespmem:s18+$0xC4F0];
	v10 =	vadd.f32 v16, v10;
	v16 =	vmul.f32 v36, v17;
	v17 =	vunpack.i.l.bf16.f32 v29  }
0x78: {  	v35 =	vld [tilespmem:s18+$0x60F0];
	v14 =	vadd.f32 v28, v14;
	v18 =	vmul.f32 v47, v38;
	v17 =	vmul.f32 v17, v63  }
0x79: {  	v51 =	vld [tilespmem:s18+$0x6130];
	v31 =	vunpack.i.l.bf16.f32 v59;
	v39 =	vunpack.i.u.bf16.f32 v30;
	v21 =	vunpack.i.u.bf16.f32 v29  }
0x7a: {  	v9 =	vadd.f32 v16, v9;
	v16 =	vmul.f32 v41, v34;
	v8 =	vadd.f32 v17, v8;
	v17 =	vld [tilespmem:s18+$0x6110]  }
0x7b: {  	v47 =	vld [tilespmem:s18+$0xC5D0];
	v28 =	vunpack.i.u.bf16.f32 v57;
	v21 =	vmul.f32 v21, v63;
	v4 =	vadd.f32 v23, v4  }
0x7c: {  	v0 =	vadd.f32 v18, v0;
	v46 =	vld [tilespmem:s18+$0xC520];
	v5 =	vadd.f32 v16, v5;
	v16 =	vunpack.i.u.bf16.f32 v37  }
0x7d: {  	v43 =	vunpack.i.l.bf16.f32 v37;
	v48 =	vunpack.i.l.bf16.f32 v40;
	v55 =	vld [tilespmem:s18+$0x6150];
	v16 =	vmul.f32 v16, v35  }
0x7e: {  	v6 =	vadd.f32 v21, v6;
	v40 =	vld [tilespmem:s18+$0xC5B0];
	v45 =	vmul.f32 v43, v35;
	v23 =	vmul.f32 v48, v38  }
0x7f: {  	v61 =	vld [tilespmem:s18+$0x6170];
	v56 =	vunpack.i.l.bf16.f32 v49;
	v2 =	vadd.f32 v16, v2;
	v16 =	vmul.f32 v50, v17  }
0x80: {  	v38 =	vld [tilespmem:s18+$0xC5A0];
	v53 =	vunpack.i.u.bf16.f32 v42;
	v1 =	vadd.f32 v23, v1;
	v23 =	vmul.f32 v56, v51  }
0x81: {  	v54 =	vld [tilespmem:s18+$0xC540];
	v12 =	vadd.f32 v16, v12;
	v16 =	vmul.f32 v53, v17;
	v17 =	vunpack.i.l.bf16.f32 v46  }
0x82: {  	v52 =	vld [tilespmem:s18+$0x6140];
	v3 =	vadd.f32 v45, v3;
	v18 =	vmul.f32 v28, v55;
	v17 =	vmul.f32 v17, v44  }
0x83: {  	v32 =	vld [tilespmem:s18+$0x6180];
	v48 =	vunpack.i.l.bf16.f32 v40;
	v56 =	vunpack.i.u.bf16.f32 v47;
	v21 =	vunpack.i.u.bf16.f32 v46  }
0x84: {  	v15 =	vadd.f32 v16, v15;
	v16 =	vmul.f32 v58, v51;
	v14 =	vadd.f32 v17, v14;
	v17 =	vld [tilespmem:s18+$0x6160]  }
0x85: {  	v28 =	vld [tilespmem:s18+$0xC620];
	v45 =	vunpack.i.u.bf16.f32 v38;
	v21 =	vmul.f32 v21, v44;
	v11 =	vadd.f32 v23, v11  }
0x86: {  	v6 =	vadd.f32 v18, v6;
	v63 =	vld [tilespmem:s18+$0xC570];
	v7 =	vadd.f32 v16, v7;
	v16 =	vunpack.i.u.bf16.f32 v54  }
0x87: {  	v60 =	vunpack.i.l.bf16.f32 v54;
	v29 =	vunpack.i.l.bf16.f32 v57;
	v36 =	vld [tilespmem:s18+$0x61A0];
	v16 =	vmul.f32 v16, v52  }
0x88: {  	v13 =	vadd.f32 v21, v13;
	v57 =	vld [tilespmem:s18+$0xC600];
	v62 =	vmul.f32 v60, v52;
	v23 =	vmul.f32 v29, v55  }
0x89: {  	v42 =	vld [tilespmem:s18+$0x61C0];
	v37 =	vunpack.i.l.bf16.f32 v30;
	v9 =	vadd.f32 v16, v9;
	v16 =	vmul.f32 v31, v17  }
0x8a: {  	v55 =	vld [tilespmem:s18+$0xC5F0];
	v34 =	vunpack.i.u.bf16.f32 v59;
	v8 =	vadd.f32 v23, v8;
	v23 =	vmul.f32 v37, v32  }
0x8b: {  	v35 =	vld [tilespmem:s18+$0xC590];
	v4 =	vadd.f32 v16, v4;
	v16 =	vmul.f32 v34, v17;
	v17 =	vunpack.i.l.bf16.f32 v63  }
0x8c: {  	v33 =	vld [tilespmem:s18+$0x6190];
	v10 =	vadd.f32 v62, v10;
	v18 =	vmul.f32 v45, v36;
	v17 =	vmul.f32 v17, v61  }
0x8d: {  	v49 =	vld [tilespmem:s18+$0x61D0];
	v29 =	vunpack.i.l.bf16.f32 v57;
	v37 =	vunpack.i.u.bf16.f32 v28;
	v21 =	vunpack.i.u.bf16.f32 v63  }
0x8e: {  	v5 =	vadd.f32 v16, v5;
	v16 =	vmul.f32 v39, v32;
	v3 =	vadd.f32 v17, v3;
	v17 =	vld [tilespmem:s18+$0x61B0]  }
0x8f: {  	v45 =	vld [tilespmem:s18+$0xC670];
	v62 =	vunpack.i.u.bf16.f32 v55;
	v21 =	vmul.f32 v21, v61;
	v1 =	vadd.f32 v23, v1  }
0x90: {  	v13 =	vadd.f32 v18, v13;
	v44 =	vld [tilespmem:s18+$0xC5C0];
	v0 =	vadd.f32 v16, v0;
	v16 =	vunpack.i.u.bf16.f32 v35  }
0x91: {  	v41 =	vunpack.i.l.bf16.f32 v35;
	v46 =	vunpack.i.l.bf16.f32 v38;
	v53 =	vld [tilespmem:s18+$0x61F0];
	v16 =	vmul.f32 v16, v33  }
0x92: {  	v2 =	vadd.f32 v21, v2;
	v38 =	vld [tilespmem:s18+$0xC650];
	v43 =	vmul.f32 v41, v33;
	v23 =	vmul.f32 v46, v36  }
0x93: {  	v59 =	vld [tilespmem:s18+$0x6210];
	v54 =	vunpack.i.l.bf16.f32 v47;
	v15 =	vadd.f32 v16, v15;
	v16 =	vmul.f32 v48, v17  }
0x94: {  	v36 =	vld [tilespmem:s18+$0xC640];
	v51 =	vunpack.i.u.bf16.f32 v40;
	v14 =	vadd.f32 v23, v14;
	v23 =	vmul.f32 v54, v49  }
0x95: {  	v52 =	vld [tilespmem:s18+$0xC5E0];
	v11 =	vadd.f32 v16, v11;
	v16 =	vmul.f32 v51, v17;
	v17 =	vunpack.i.l.bf16.f32 v44  }
0x96: {  	v50 =	vld [tilespmem:s18+$0x61E0];
	v12 =	vadd.f32 v43, v12;
	v18 =	vmul.f32 v62, v53;
	v17 =	vmul.f32 v17, v42  }
0x97: {  	v30 =	vld [tilespmem:s18+$0x6220];
	v46 =	vunpack.i.l.bf16.f32 v38;
	v54 =	vunpack.i.u.bf16.f32 v45;
	v21 =	vunpack.i.u.bf16.f32 v44  }
0x98: {  	v7 =	vadd.f32 v16, v7;
	v16 =	vmul.f32 v56, v49;
	v10 =	vadd.f32 v17, v10;
	v17 =	vld [tilespmem:s18+$0x6200]  }
0x99: {  	v62 =	vld [tilespmem:s18+$0xC6C0];
	v43 =	vunpack.i.u.bf16.f32 v36;
	v21 =	vmul.f32 v21, v42;
	v8 =	vadd.f32 v23, v8  }
0x9a: {  	v2 =	vadd.f32 v18, v2;
	v61 =	vld [tilespmem:s18+$0xC610];
	v6 =	vadd.f32 v16, v6;
	v16 =	vunpack.i.u.bf16.f32 v52  }
0x9b: {  	v58 =	vunpack.i.l.bf16.f32 v52;
	v63 =	vunpack.i.l.bf16.f32 v55;
	v34 =	vld [tilespmem:s18+$0x6240];
	v16 =	vmul.f32 v16, v50  }
0x9c: {  	v9 =	vadd.f32 v21, v9;
	v55 =	vld [tilespmem:s18+$0xC6A0];
	v60 =	vmul.f32 v58, v50;
	v23 =	vmul.f32 v63, v53  }
0x9d: {  	v40 =	vld [tilespmem:s18+$0x6260];
	v35 =	vunpack.i.l.bf16.f32 v28;
	v5 =	vadd.f32 v16, v5;
	v16 =	vmul.f32 v29, v17  }
0x9e: {  	v53 =	vld [tilespmem:s18+$0xC690];
	v32 =	vunpack.i.u.bf16.f32 v57;
	v3 =	vadd.f32 v23, v3;
	v23 =	vmul.f32 v35, v30  }
0x9f: {  	v33 =	vld [tilespmem:s18+$0xC630];
	v1 =	vadd.f32 v16, v1;
	v16 =	vmul.f32 v32, v17;
	v17 =	vunpack.i.l.bf16.f32 v61  }
0xa0: {  	v31 =	vld [tilespmem:s18+$0x6230];
	v4 =	vadd.f32 v60, v4;
	v18 =	vmul.f32 v43, v34;
	v17 =	vmul.f32 v17, v59  }
0xa1: {  	v47 =	vld [tilespmem:s18+$0x6270];
	v63 =	vunpack.i.l.bf16.f32 v55;
	v35 =	vunpack.i.u.bf16.f32 v62;
	v21 =	vunpack.i.u.bf16.f32 v61  }
0xa2: {  	v0 =	vadd.f32 v16, v0;
	v16 =	vmul.f32 v37, v30;
	v12 =	vadd.f32 v17, v12;
	v17 =	vld [tilespmem:s18+$0x6250]  }
0xa3: {  	v43 =	vld [tilespmem:s18+$0xC710];
	v60 =	vunpack.i.u.bf16.f32 v53;
	v21 =	vmul.f32 v21, v59;
	v14 =	vadd.f32 v23, v14  }
0xa4: {  	v9 =	vadd.f32 v18, v9;
	v42 =	vld [tilespmem:s18+$0xC660];
	v13 =	vadd.f32 v16, v13;
	v16 =	vunpack.i.u.bf16.f32 v33  }
0xa5: {  	v39 =	vunpack.i.l.bf16.f32 v33;
	v44 =	vunpack.i.l.bf16.f32 v36;
	v51 =	vld [tilespmem:s18+$0x6290];
	v16 =	vmul.f32 v16, v31  }
0xa6: {  	v15 =	vadd.f32 v21, v15;
	v36 =	vld [tilespmem:s18+$0xC6F0];
	v41 =	vmul.f32 v39, v31;
	v23 =	vmul.f32 v44, v34  }
0xa7: {  	v52 =	vunpack.i.l.bf16.f32 v45;
	v7 =	vadd.f32 v16, v7;
	v16 =	vmul.f32 v46, v17  }
0xa8: {  	v34 =	vld [tilespmem:s18+$0xC6E0];
	v49 =	vunpack.i.u.bf16.f32 v38;
	v10 =	vadd.f32 v23, v10;
	v23 =	vmul.f32 v52, v47  }
0xa9: {  	v50 =	vld [tilespmem:s18+$0xC680];
	v8 =	vadd.f32 v16, v8;
	v16 =	vmul.f32 v49, v17;
	v17 =	vunpack.i.l.bf16.f32 v42  }
0xaa: {  	v48 =	vld [tilespmem:s18+$0x6280];
	v11 =	vadd.f32 v41, v11;
	v18 =	vmul.f32 v60, v51;
	v17 =	vmul.f32 v17, v40  }
0xab: {  	v57 =	vld [tilespmem:s18+$0x62B0];
	v44 =	vunpack.i.l.bf16.f32 v36;
	v52 =	vunpack.i.u.bf16.f32 v43;
	v21 =	vunpack.i.u.bf16.f32 v42  }
0xac: {  	v6 =	vadd.f32 v16, v6;
	v16 =	vmul.f32 v54, v47;
	v4 =	vadd.f32 v17, v4;
	v17 =	vld [tilespmem:s18+$0x62A0]  }
0xad: {  	v28 =	vld [tilespmem:s18+$0x62C0];
	v41 =	vunpack.i.u.bf16.f32 v34;
	v21 =	vmul.f32 v21, v40;
	v3 =	vadd.f32 v23, v3  }
0xae: {  	v15 =	vadd.f32 v18, v15;
	v59 =	vld [tilespmem:s18+$0xC6B0];
	v2 =	vadd.f32 v16, v2;
	v16 =	vunpack.i.u.bf16.f32 v50  }
0xaf: {  	v56 =	vunpack.i.l.bf16.f32 v50;
	v61 =	vunpack.i.l.bf16.f32 v53;
	v32 =	vld [tilespmem:s18+$0x62E0];
	v16 =	vmul.f32 v16, v48  }
0xb0: {  	v5 =	vadd.f32 v21, v5;
	v53 =	vld [tilespmem:s18+$0xC740];
	v58 =	vmul.f32 v56, v48;
	v23 =	vmul.f32 v61, v51  }
0xb1: {  	v33 =	vunpack.i.l.bf16.f32 v62;
	v0 =	vadd.f32 v16, v0;
	v16 =	vmul.f32 v63, v17  }
0xb2: {  	v51 =	vld [tilespmem:s18+$0xC730];
	v30 =	vunpack.i.u.bf16.f32 v55;
	v12 =	vadd.f32 v23, v12;
	v23 =	vmul.f32 v33, v28  }
0xb3: {  	v31 =	vld [tilespmem:s18+$0xC6D0];
	v14 =	vadd.f32 v16, v14;
	v16 =	vmul.f32 v30, v17;
	v17 =	vunpack.i.l.bf16.f32 v59  }
0xb4: {  	v29 =	vld [tilespmem:s18+$0x62D0];
	v1 =	vadd.f32 v58, v1;
	v18 =	vmul.f32 v41, v32;
	v17 =	vmul.f32 v17, v57  }
0xb5: {  	v61 =	vunpack.i.l.bf16.f32 v53;
	v27 =	vunpack.i.u.bf16.f32 v53;
	v33 =	vld [tilespmem:s18+$0xC790];
	v21 =	vunpack.i.u.bf16.f32 v59  }
0xb6: {  	v13 =	vadd.f32 v16, v13;
	v16 =	vmul.f32 v35, v28;
	v11 =	vadd.f32 v17, v11;
	v17 =	vld [tilespmem:s18+$0x62F0]  }
0xb7: {  	v38 =	vld [tilespmem:s18+$0x6300];
	v58 =	vunpack.i.u.bf16.f32 v51;
	v21 =	vmul.f32 v21, v57;
	v10 =	vadd.f32 v23, v10  }
0xb8: {  	v5 =	vadd.f32 v18, v5;
	v40 =	vld [tilespmem:s18+$0xC700];
	v9 =	vadd.f32 v16, v9;
	v16 =	vunpack.i.u.bf16.f32 v31  }
0xb9: {  	v45 =	vld [tilespmem:s18+$0x6310];
	v7 =	vadd.f32 v21, v7;
	v42 =	vunpack.i.l.bf16.f32 v34;
	v16 =	vmul.f32 v16, v29  }
0xba: {  	v37 =	vunpack.i.l.bf16.f32 v31;
	v49 =	vld [tilespmem:s18+$0x6330];
	v41 =	vunpack.i.l.bf16.f32 v33;
	v23 =	vmul.f32 v42, v32  }
0xbb: {  	v60 =	vld [tilespmem:s18+$0xC760];
	v39 =	vmul.f32 v37, v29;
	v6 =	vadd.f32 v16, v6;
	v16 =	vmul.f32 v44, v17  }
0xbc: {  	v55 =	vld [tilespmem:s18+$0x6350];
	v47 =	vunpack.i.u.bf16.f32 v36;
	v50 =	vunpack.i.l.bf16.f32 v43;
	v4 =	vadd.f32 v23, v4  }
0xbd: {  	v48 =	vld [tilespmem:s18+$0xC720];
	v3 =	vadd.f32 v16, v3;
	v16 =	vmul.f32 v47, v17;
	v17 =	vunpack.i.l.bf16.f32 v40  }
0xbe: {  	v46 =	vld [tilespmem:s18+$0x6320];
	v23 =	vmul.f32 v50, v45;
	v21 =	vunpack.i.u.bf16.f32 v40;
	v17 =	vmul.f32 v17, v38  }
0xbf: {  	v8 =	vadd.f32 v39, v8;
	v18 =	vmul.f32 v58, v49;
	v50 =	vld [tilespmem:s18+$0xC7E0];
	v21 =	vmul.f32 v21, v38  }
0xc0: {  	v2 =	vadd.f32 v16, v2;
	v16 =	vmul.f32 v52, v45;
	v1 =	vadd.f32 v17, v1;
	v17 =	vld [tilespmem:s18+$0x6340]  }
0xc1: {  	v62 =	vld [tilespmem:s18+$0x6360];
	v32 =	vunpack.i.u.bf16.f32 v60;
	v12 =	vadd.f32 v23, v12;
	v7 =	vadd.f32 v18, v7  }
0xc2: {  	v0 =	vadd.f32 v21, v0;
	v57 =	vld [tilespmem:s18+$0xC750];
	v15 =	vadd.f32 v16, v15;
	v16 =	vunpack.i.u.bf16.f32 v48  }
0xc3: {  	v54 =	vunpack.i.l.bf16.f32 v48;
	v59 =	vunpack.i.l.bf16.f32 v51;
	v28 =	vld [tilespmem:s18+$0xC770];
	v16 =	vmul.f32 v16, v46  }
0xc4: {  	v63 =	vld [tilespmem:s18+$0x6370];
	v30 =	vunpack.i.l.bf16.f32 v60;
	v56 =	vmul.f32 v54, v46;
	v23 =	vmul.f32 v59, v49  }
0xc5: {  	v37 =	vld [tilespmem:s18+$0xC7A0];
	v60 =	vunpack.i.u.bf16.f32 v50;
	v13 =	vadd.f32 v16, v13;
	v16 =	vmul.f32 v61, v17  }
0xc6: {  	v14 =	vadd.f32 v56, v14;
	v31 =	vld [tilespmem:s18+$0xC780];
	v11 =	vadd.f32 v23, v11;
	v23 =	vmul.f32 v30, v62  }
0xc7: {  	v35 =	vld [tilespmem:s18+$0x63A0];
	v10 =	vadd.f32 v16, v10;
	v16 =	vmul.f32 v27, v17;
	v17 =	vunpack.i.l.bf16.f32 v57  }
0xc8: {  	v29 =	vld [tilespmem:s18+$0x6380];
	v21 =	vunpack.i.u.bf16.f32 v57;
	v34 =	vunpack.i.l.bf16.f32 v28;
	v17 =	vmul.f32 v17, v55  }
0xc9: {  	v21 =	vmul.f32 v21, v55;
	v4 =	vadd.f32 v23, v4;
	v36 =	vmul.f32 v34, v63;
	v40 =	vld [tilespmem:s18+$0xC7B0]  }
0xca: {  	v9 =	vadd.f32 v16, v9;
	v16 =	vmul.f32 v32, v62;
	v8 =	vadd.f32 v17, v8;
	v17 =	vld [tilespmem:s18+$0x6390]  }
0xcb: {  	v42 =	vld [tilespmem:s18+$0x63B0];
	v44 =	vunpack.i.u.bf16.f32 v33;
	v6 =	vadd.f32 v21, v6;
	v39 =	vunpack.i.l.bf16.f32 v31  }
0xcc: {  	v43 =	vld [tilespmem:s18+$0x63C0];
	v21 =	vunpack.i.u.bf16.f32 v37;
	v5 =	vadd.f32 v16, v5;
	v16 =	vunpack.i.u.bf16.f32 v28  }
0xcd: {  	v23 =	vmul.f32 v39, v29;
	v38 =	vunpack.i.u.bf16.f32 v31;
	v45 =	vld [tilespmem:s18+$0xC7C0];
	v16 =	vmul.f32 v16, v63  }
0xce: {  	v21 =	vmul.f32 v21, v35;
	v18 =	vmul.f32 v38, v29;
	v3 =	vadd.f32 v36, v3;
	v48 =	vld [tilespmem:s18+$0xC7D0]  }
0xcf: {  	v53 =	vld [tilespmem:s18+$0xC7F0];
	v47 =	vunpack.i.l.bf16.f32 v40;
	v2 =	vadd.f32 v16, v2;
	v16 =	vmul.f32 v41, v17  }
0xd0: {  	v0 =	vadd.f32 v18, v0;
	v1 =	vadd.f32 v23, v1;
	v46 =	vld [tilespmem:s18+$0x63D0];
	v23 =	vmul.f32 v47, v42  }
0xd1: {  	v12 =	vadd.f32 v16, v12;
	v16 =	vmul.f32 v44, v17;
	v17 =	vunpack.i.l.bf16.f32 v37  }
0xd2: {  	v58 =	vld [tilespmem:s18+$0xC800];
	v49 =	vunpack.i.u.bf16.f32 v40;
	v51 =	vunpack.i.l.bf16.f32 v45;
	v17 =	vmul.f32 v17, v35  }
0xd3: {  	v56 =	vld [tilespmem:s18+$0x63F0];
	v11 =	vadd.f32 v23, v11;
	v52 =	vmul.f32 v51, v43;
	v54 =	vunpack.i.u.bf16.f32 v48  }
0xd4: {  	v15 =	vadd.f32 v16, v15;
	v16 =	vmul.f32 v49, v42;
	v14 =	vadd.f32 v17, v14;
	v17 =	vld [tilespmem:s18+$0x63E0]  }
0xd5: {  	v59 =	vld [tilespmem:s18+$0x6400];
	v61 =	vunpack.i.u.bf16.f32 v53;
	v13 =	vadd.f32 v21, v13;
	v18 =	vmul.f32 v54, v46  }
0xd6: {  	v55 =	vunpack.i.l.bf16.f32 v48;
	v7 =	vadd.f32 v16, v7;
	v16 =	vunpack.i.u.bf16.f32 v45  }
0xd7: {  	v57 =	vunpack.i.l.bf16.f32 v50;
	v22 =	vmul.f32 v55, v46;
	v16 =	vmul.f32 v16, v43  }
0xd8: {  	v10 =	vadd.f32 v52, v10;
	v6 =	vadd.f32 v18, v6;
	v18 =	vmul.f32 v61, v56  }
0xd9: {  	p0 =	sne.s32 s17, $0x18FC0;
	v62 =	vunpack.i.u.bf16.f32 v58;
	v9 =	vadd.f32 v16, v9;
	v16 =	vmul.f32 v57, v17  }
.Ltmp1:
0xda: {  	v19 =	vmul.f32 v62, v59;
	v8 =	vadd.f32 v22, v8;
	v17 =	vmul.f32 v60, v17;
	(pc) =	sbr.rel @p0 .LBB2_4-.Ltmp1, $4  }
0xdb: {  	v63 =	vunpack.i.l.bf16.f32 v58;
	v4 =	vadd.f32 v16, v4;
	v16 =	vunpack.i.l.bf16.f32 v53  }
0xdc: {  	v5 =	vadd.f32 v17, v5;
	v17 =	vmul.f32 v63, v59;
	v16 =	vmul.f32 v16, v56  }
0xdd: {  	v0 =	vadd.f32 v19, v0;
	v2 =	vadd.f32 v18, v2  }
0xde: {  	s17 =	sadd.s32 $0x1400, s17;
	v1 =	vadd.f32 v17, v1;
	v3 =	vadd.f32 v16, v3  }
0xdf: {  	v16 =	vld [tilespmem:$0x12C00]  }
0xe0: {  	v17 =	vld [tilespmem:$0x12C10];
	_ =	sdelay $0x3  }
0xe1: {  	v12 =	vadd.f32 v16, v12  }
0xe2: {  	v15 =	vadd.f32 v17, v15  }
0xe3: {  	v62 =	vadd.f32 v16, v14;
	[tilespmem:$0x12C20] =	vst v12  }
0xe4: {  	v13 =	vadd.f32 v17, v13;
	[tilespmem:$0x12CA0] =	vst v15  }
0xe5: {  	v11 =	vadd.f32 v16, v11;
	[tilespmem:$0x12C30] =	vst v62  }
0xe6: {  	v7 =	vadd.f32 v17, v7;
	[tilespmem:$0x12CB0] =	vst v13  }
0xe7: {  	v10 =	vadd.f32 v16, v10;
	[tilespmem:$0x12C40] =	vst v11  }
0xe8: {  	v63 =	vadd.f32 v17, v9;
	[tilespmem:$0x12CC0] =	vst v7  }
0xe9: {  	v8 =	vadd.f32 v16, v8;
	[tilespmem:$0x12C50] =	vst v10  }
0xea: {  	v6 =	vadd.f32 v17, v6;
	[tilespmem:$0x12CD0] =	vst v63  }
0xeb: {  	v4 =	vadd.f32 v16, v4;
	[tilespmem:$0x12C60] =	vst v8  }
0xec: {  	v5 =	vadd.f32 v17, v5;
	[tilespmem:$0x12CE0] =	vst v6  }
0xed: {  	v3 =	vadd.f32 v16, v3;
	[tilespmem:$0x12C70] =	vst v4  }
0xee: {  	v2 =	vadd.f32 v17, v2;
	[tilespmem:$0x12CF0] =	vst v5  }
0xef: {  	v1 =	vadd.f32 v16, v1;
	[tilespmem:$0x12C80] =	vst v3  }
0xf0: {  	s16 =	sadd.s32 $0x1, s16;
	v0 =	vadd.f32 v17, v0;
	[tilespmem:$0x12D00] =	vst v2  }
0xf1: {  	p0 =	sne.s32 s16, s8;
	[tilespmem:$0x12C90] =	vst v1  }
.Ltmp2:
0xf2: {  	[tilespmem:$0x12D10] =	vst v0;
	(pc) =	sbr.rel @p0 .LBB2_1-.Ltmp2, $4  }
0xf3: {  	[hbm4b:s7+s9] =	stream.strided.scatter [tilespmem:s15], [sflag:$0x2], $0x100, s10, s9, $0x38;
	[tilespmem:$0x12D20] =	vst v63  }
0xf4: {  	_ =	swait.ge [sflag:s11], $0x100  }
0xf5: {  	[sflag:s11] =	ssyncset.done $0x0  }
0xf6: {  	[sflag:s11] =	ssyncadd.s32 $0xFFFFFF00  }
0xf7: {  	_ =	sfence.sel $0x180000  }
0xf8: {  	[bflag:$0x0] =	sbarrier.arrive $0xFFFF  }
0xf9: {  	p0 =	sne.s32 s2, $0x0;
	_ =	strace $0x90000047  }
0xfa: {  	s0 =	sadd.s32 @!p0 $0x100000, s0;
	[bflag:$0x2] =	sbarrier.arrive $0xFFFF  }
0xfb: {  	[sflag:s0] =	ssyncadd.tile.s32 @!p0 $0x1;
	_ =	shalt  }
.Lfunc_end2:
_tile_overlayer_lowered:
.L_overlay_start_2:
0xfc: {  	(tag) =	ssettag $0x2  }
0xfd: {  	s0 =	rddreg [dreg:$0x0];
	s2 =	stileid.u32  }
0xfe: {  	s1 =	rddreg [dreg:$0x1];
	p0 =	sne.s32 s2, $0x0  }
0xff: {  	s3 =	rddreg [dreg:$0x2];
	[bflag:$0x3] =	sbarrier.arrive $0xFFFF;
	s2 =	simm.s32 @!p0 $0x1C02  }
0x100: {  	[timem:s3], [sflag:s2] =	dma.local @!p0 [hbm:s0], s1  }
0x101: {  	s0 =	simm.s32 @!p0 $0x2  }
0x102: {  	_ =	swait.ge @!p0 [sflag:s0], s1  }
0x103: {  	s1 =	ssub.s32 @!p0 $0x0, s1;
	[sflag:s0] =	ssyncset.done @!p0 $0x0  }
0x104: {  	[sflag:s0] =	ssyncadd.s32 @!p0 s1  }
0x105: {  	[bflag:$0x3] =	sbarrier.arrive $0xFFFF  }
0x106: {  	_ =	shalt  }

</sc_bundles>
